<compile_context>
chip_gen: v7x
topology: tpu7x:2x2x1
jax: 0.10.2.dev20260603
libtpu: 0.0.44.dev20260713+nightly
codegen_flags: <defaults>
</compile_context>

<pallas_src>
import functools

import jax
import jax.numpy as jnp
from jax import lax
from jax.experimental import pallas as pl
from jax.experimental.pallas import tpu as pltpu
from jax.experimental.pallas import tpu_sc as plsc

B, S, M, D = 1024, 20, 20, 64
G = 8
W = 6
J = G * W
NC, NS = 2, 16
NW = NC * NS
CB = 8
NT = S * CB
TPW = NT // NW
QP = 4
NQ = M // QP


def _body(x2, out, buf0, buf1, shared, sem_in, sem_cp, sem_out):
    sid = lax.axis_index("s")
    wid = sid * NC + lax.axis_index("c")

    bufs = (buf0, buf1)

    def task(t, carry):
        tid = wid * TPW + t
        s = tid // CB
        col = (tid % CB) * 128
        in_base = s * M
        cs = pl.ds(col, 128)
        slot = shared.at[sid]

        def load(q):
            return pltpu.make_async_copy(
                x2.at[pl.ds(in_base + q * QP, QP), :, pl.ds(col, 128)],
                bufs[q % 2], sem_in)

        def stores(q):
            buf = bufs[q % 2]
            hs = []
            if q == 0:
                hs.append(pltpu.async_copy(buf.at[0:2], slot.at[0:2], sem_cp))
                hs.append(pltpu.async_copy(
                    buf.at[2:4], out.at[s, 0:2, 2, :, cs], sem_out))
            elif q == 1:
                hs.append(pltpu.async_copy(
                    buf, out.at[s, 2:6, 2, :, cs], sem_out))
            elif q == 2:
                hs.append(pltpu.async_copy(
                    buf.at[0:2], out.at[s, 6:8, 2, :, cs], sem_out))
                hs.append(pltpu.async_copy(buf.at[2:4], slot.at[2:4], sem_cp))
            elif q == 3:
                hs.append(pltpu.async_copy(
                    buf, out.at[s, 0:4, 5, :, cs], sem_out))
            else:
                hs.append(pltpu.async_copy(
                    buf, out.at[s, 4:8, 5, :, cs], sem_out))
            return hs

        def dup_stores(lo):
            w0 = 0 if lo == 0 else 3
            return [pltpu.async_copy(
                        slot.at[pl.ds(lo, 2)],
                        out.at[s, g, pl.ds(w0, 2), :, cs], sem_out)
                    for g in range(G)]

        load(0).start()
        pending = []
        dups = []
        for q in range(NQ):
            load(q).wait()
            if q < NQ - 1:
                for h in pending:
                    h.wait()
                pending = []
                load(q + 1).start()
            pending += stores(q)
            if q == 1:
                dups += dup_stores(0)
            elif q == 3:
                dups += dup_stores(2)
        for h in pending + dups:
            h.wait()
        return carry

    lax.fori_loop(0, TPW, task, 0)


@jax.jit
def _recombine_sc(x):
    x2 = x.transpose(1, 2, 3, 0).reshape(S * M, D, B)
    mesh = plsc.VectorSubcoreMesh(core_axis_name="c", subcore_axis_name="s")
    k = functools.partial(
        pl.kernel,
        out_type=jax.ShapeDtypeStruct((S, G, W, D, B), jnp.float32),
        mesh=mesh,
        scratch_types=[
            pltpu.VMEM((QP, D, 128), jnp.float32),
            pltpu.VMEM((QP, D, 128), jnp.float32),
            pltpu.VMEM_SHARED((NS, QP, D, 128), jnp.float32),
            pltpu.SemaphoreType.DMA,
            pltpu.SemaphoreType.DMA,
            pltpu.SemaphoreType.DMA,
        ],
        compiler_params=pltpu.CompilerParams(use_tc_tiling_on_sc=True),
    )(_body)
    yt = k(x2)
    return yt.transpose(4, 0, 1, 2, 3)


def kernel(x):
    return _recombine_sc(x)

# --- scband reference (transcript-rebuilt; emitter-appended) ---
"""Pipeline reference for scband-recombine-30597347017179 (READ-ONLY COPY).

The authoritative reference and input builder live on the scoring server;
editing this copy changes nothing except your own understanding.
"""

import jax, jax.numpy as jnp
import numpy as np

_RECOMBINE_IDX = jnp.array([0, 1, 2, 10, 11, 12, 0, 1, 3, 10, 11, 13, 0, 1, 4, 10, 11, 14, 0, 1, 5, 10, 11, 15, 0, 1, 6, 10, 11, 16, 0, 1, 7, 10, 11, 17, 0, 1, 8, 10, 11, 18, 0, 1, 9, 10, 11, 19], dtype=jnp.int32)


def setup_inputs(seed: int = 0) -> dict:
    key = jax.random.key(seed)
    x = jax.random.normal(key, (1024, 20, 20, 64), dtype=jnp.float32)
    return {"x": x}


def reference(x):
    b, s, m, d = x.shape
    gathered = jnp.take(x, _RECOMBINE_IDX, axis=2)
    return gathered.reshape(b, s, 8, 6, d)

if __name__ == "__main__":
    import jax
    _d = setup_inputs()
    print(jax.jit(kernel)(*tuple(_d.values())))

</pallas_src>

<mosaic_0001>
#map = affine_map<(d0, d1) -> (0, 0, 0)>
#map1 = affine_map<(d0, d1) -> (0, 0, 0, 0, 0)>
module attributes {stable_mosaic.version = 14 : i64} {
  func.func @_body(%arg0: i32, %arg1: i32, %arg2: memref<400x64x1024xf32, #tpu.memory_space<hbm>>, %arg3: memref<20x8x6x64x1024xf32, #tpu.memory_space<hbm>>, %arg4: memref<4x64x128xf32, #tpu.memory_space<vmem>>, %arg5: memref<4x64x128xf32, #tpu.memory_space<vmem>>, %arg6: memref<16x4x64x128xf32, #tpu.memory_space<vmem_shared>>, %arg7: memref<!tpu.dma_semaphore, #tpu.memory_space<semaphore_mem>>, %arg8: memref<!tpu.dma_semaphore, #tpu.memory_space<semaphore_mem>>, %arg9: memref<!tpu.dma_semaphore, #tpu.memory_space<semaphore_mem>>) attributes {dimension_semantics = [#tpu.dimension_semantics<core_parallel>, #tpu.dimension_semantics<subcore_parallel>], iteration_bounds = array<i64: 2, 16>, scalar_prefetch = 0 : i64, scratch_operands = 6 : i64, tpu.core_type = #tpu.core_type<sc_vector_subcore>, window_params = [{transform_indices = #map}, {transform_indices = #map1}]} {
    %mul3A = arith.constant 2 : i32
    %mul3A_0 = arith.muli %arg1, %mul3A : i32
    %add3A = arith.addi %mul3A_0, %arg0 : i32
    %scan3A = arith.constant 0 : i32
    %scan3A_1 = arith.constant 0 : i32
    %scan3A_2 = arith.constant 5 : i32
    %scan3A_3 = arith.addi %scan3A_1, %scan3A_2 : i32
    %scan3A_4 = arith.constant 1 : i32
    scf.for %scan3A_6 = %scan3A_1 to %scan3A_3 step %scan3A_4  : i32 {
      %mul3A_7 = arith.constant 5 : i32
      %mul3A_8 = arith.muli %add3A, %mul3A_7 : i32
      %add3A_9 = arith.addi %mul3A_8, %scan3A_6 : i32
      %jit3A = arith.constant 8 : i32
      %div3A = arith.divsi %add3A_9, %jit3A : i32
      %sign3A = arith.constant 0 : i32
      %sign3A_10 = arith.cmpi sgt, %add3A_9, %sign3A : i32
      %sign3A_11 = arith.extui %sign3A_10 : i1 to i32
      %sign3A_12 = arith.constant 0 : i32
      %sign3A_13 = arith.cmpi slt, %add3A_9, %sign3A_12 : i32
      %sign3A_14 = arith.extui %sign3A_13 : i1 to i32
      %sign3A_15 = arith.subi %sign3A_11, %sign3A_14 : i32
      %sign3A_16 = arith.constant 0 : i32
      %sign3A_17 = arith.cmpi sgt, %jit3A, %sign3A_16 : i32
      %sign3A_18 = arith.extui %sign3A_17 : i1 to i32
      %sign3A_19 = arith.constant 0 : i32
      %sign3A_20 = arith.cmpi slt, %jit3A, %sign3A_19 : i32
      %sign3A_21 = arith.extui %sign3A_20 : i1 to i32
      %sign3A_22 = arith.subi %sign3A_18, %sign3A_21 : i32
      %ne3A = arith.cmpi ne, %sign3A_15, %sign3A_22 : i32
      %rem3A = arith.remsi %add3A_9, %jit3A : i32
      %ne3A_23 = arith.constant 0 : i32
      %ne3A_24 = arith.cmpi ne, %rem3A, %ne3A_23 : i32
      %and3A = arith.andi %ne3A, %ne3A_24 : i1
      %sub3A = arith.constant 1 : i32
      %sub3A_25 = arith.subi %div3A, %sub3A : i32
      %select_n3A = arith.select %and3A, %sub3A_25, %div3A : i32
      %jit3A_26 = arith.constant 8 : i32
      %eq3A = arith.constant 0 : i32
      %eq3A_27 = arith.cmpi eq, %jit3A_26, %eq3A : i32
      %jit3A_28 = arith.constant 1 : i32
      %select_n3A_29 = arith.select %eq3A_27, %jit3A_28, %jit3A_26 : i32
      %rem3A_30 = arith.remsi %add3A_9, %select_n3A_29 : i32
      %ne3A_31 = arith.constant 0 : i32
      %ne3A_32 = arith.cmpi ne, %rem3A_30, %ne3A_31 : i32
      %lt3A = arith.constant 0 : i32
      %lt3A_33 = arith.cmpi slt, %rem3A_30, %lt3A : i32
      %lt3A_34 = arith.constant 0 : i32
      %lt3A_35 = arith.cmpi slt, %select_n3A_29, %lt3A_34 : i32
      %ne3A_36 = arith.xori %lt3A_33, %lt3A_35 : i1
      %and3A_37 = arith.andi %ne3A_36, %ne3A_32 : i1
      %add3A_38 = arith.addi %rem3A_30, %select_n3A_29 : i32
      %select_n3A_39 = arith.select %and3A_37, %add3A_38, %rem3A_30 : i32
      %mul3A_40 = arith.constant 128 : i32
      %mul3A_41 = arith.muli %select_n3A_39, %mul3A_40 : i32
      %mul3A_42 = arith.constant 20 : i32
      %mul3A_43 = arith.muli %select_n3A, %mul3A_42 : i32
      %add3A_44 = arith.constant 0 : i32
      %add3A_45 = arith.addi %mul3A_43, %add3A_44 : i32
      %dma_start3A = arith.constant 0 : i32
      %dma_start3A_46 = tpu.memref_slice %arg2[%add3A_45, %dma_start3A, %mul3A_41] : memref<400x64x1024xf32, #tpu.memory_space<hbm>> -> memref<4x64x128xf32, #tpu.memory_space<hbm>>
      %dma_start3A_47 = arith.constant 0 : i32
      %dma_start3A_48 = tpu.memref_slice %arg2[%add3A_45, %dma_start3A_47, %mul3A_41] : memref<400x64x1024xf32, #tpu.memory_space<hbm>> -> memref<4x64x128xf32, #tpu.memory_space<hbm>>
      tpu.enqueue_dma source(%dma_start3A_48 : memref<4x64x128xf32, #tpu.memory_space<hbm>>) target(%arg4 : memref<4x64x128xf32, #tpu.memory_space<vmem>>) target_semaphore(%arg7 : memref<!tpu.dma_semaphore, #tpu.memory_space<semaphore_mem>>)
      %add3A_49 = arith.constant 0 : i32
      %add3A_50 = arith.addi %mul3A_43, %add3A_49 : i32
      %dma_wait3A = arith.constant 0 : i32
      %dma_wait3A_51 = tpu.memref_slice %arg2[%add3A_50, %dma_wait3A, %mul3A_41] : memref<400x64x1024xf32, #tpu.memory_space<hbm>> -> memref<4x64x128xf32, #tpu.memory_space<hbm>>
      %dma_wait3A_52 = arith.constant 0 : i32
      %dma_wait3A_53 = tpu.memref_slice %arg2[%add3A_50, %dma_wait3A_52, %mul3A_41] : memref<400x64x1024xf32, #tpu.memory_space<hbm>> -> memref<4x64x128xf32, #tpu.memory_space<hbm>>
      tpu.wait_dma2 semaphore(%arg7 : memref<!tpu.dma_semaphore, #tpu.memory_space<semaphore_mem>>) src(%dma_wait3A_53 : memref<4x64x128xf32, #tpu.memory_space<hbm>>) dst(%arg4 : memref<4x64x128xf32, #tpu.memory_space<vmem>>)
      %add3A_54 = arith.constant 4 : i32
      %add3A_55 = arith.addi %mul3A_43, %add3A_54 : i32
      %dma_start3A_56 = arith.constant 0 : i32
      %dma_start3A_57 = tpu.memref_slice %arg2[%add3A_55, %dma_start3A_56, %mul3A_41] : memref<400x64x1024xf32, #tpu.memory_space<hbm>> -> memref<4x64x128xf32, #tpu.memory_space<hbm>>
      %dma_start3A_58 = arith.constant 0 : i32
      %dma_start3A_59 = tpu.memref_slice %arg2[%add3A_55, %dma_start3A_58, %mul3A_41] : memref<400x64x1024xf32, #tpu.memory_space<hbm>> -> memref<4x64x128xf32, #tpu.memory_space<hbm>>
      tpu.enqueue_dma source(%dma_start3A_59 : memref<4x64x128xf32, #tpu.memory_space<hbm>>) target(%arg5 : memref<4x64x128xf32, #tpu.memory_space<vmem>>) target_semaphore(%arg7 : memref<!tpu.dma_semaphore, #tpu.memory_space<semaphore_mem>>)
      %dma_start3A_60 = arith.constant 0 : i32
      %dma_start3A_61 = arith.constant 0 : i32
      %dma_start3A_62 = arith.constant 0 : i32
      %dma_start3A_63 = tpu.memref_slice %arg4[%dma_start3A_60, %dma_start3A_61, %dma_start3A_62] : memref<4x64x128xf32, #tpu.memory_space<vmem>> -> memref<2x64x128xf32, #tpu.memory_space<vmem>>
      %dma_start3A_64 = arith.constant 0 : i32
      %dma_start3A_65 = arith.constant 0 : i32
      %dma_start3A_66 = arith.constant 0 : i32
      %dma_start3A_67 = tpu.memref_slice %arg6[%arg1, %dma_start3A_64, %dma_start3A_65, %dma_start3A_66] : memref<16x4x64x128xf32, #tpu.memory_space<vmem_shared>> -> memref<1x4x64x128xf32, #tpu.memory_space<vmem_shared>>
      %dma_start3A_68 = tpu.memref_squeeze %dma_start3A_67 : memref<1x4x64x128xf32, #tpu.memory_space<vmem_shared>> -> memref<4x64x128xf32, #tpu.memory_space<vmem_shared>>
      %dma_start3A_69 = arith.constant 0 : i32
      %dma_start3A_70 = arith.constant 0 : i32
      %dma_start3A_71 = arith.constant 0 : i32
      %dma_start3A_72 = tpu.memref_slice %dma_start3A_68[%dma_start3A_69, %dma_start3A_70, %dma_start3A_71] : memref<4x64x128xf32, #tpu.memory_space<vmem_shared>> -> memref<2x64x128xf32, #tpu.memory_space<vmem_shared>>
      %dma_start3A_73 = arith.constant 0 : i32
      %dma_start3A_74 = arith.constant 0 : i32
      %dma_start3A_75 = arith.constant 0 : i32
      %dma_start3A_76 = tpu.memref_slice %arg6[%arg1, %dma_start3A_73, %dma_start3A_74, %dma_start3A_75] : memref<16x4x64x128xf32, #tpu.memory_space<vmem_shared>> -> memref<1x4x64x128xf32, #tpu.memory_space<vmem_shared>>
      %dma_start3A_77 = tpu.memref_squeeze %dma_start3A_76 : memref<1x4x64x128xf32, #tpu.memory_space<vmem_shared>> -> memref<4x64x128xf32, #tpu.memory_space<vmem_shared>>
      %dma_start3A_78 = arith.constant 0 : i32
      %dma_start3A_79 = arith.constant 0 : i32
      %dma_start3A_80 = arith.constant 0 : i32
      %dma_start3A_81 = tpu.memref_slice %dma_start3A_77[%dma_start3A_78, %dma_start3A_79, %dma_start3A_80] : memref<4x64x128xf32, #tpu.memory_space<vmem_shared>> -> memref<2x64x128xf32, #tpu.memory_space<vmem_shared>>
      %dma_start3A_82 = arith.constant 0 : i32
      %dma_start3A_83 = arith.constant 0 : i32
      %dma_start3A_84 = arith.constant 0 : i32
      %dma_start3A_85 = tpu.memref_slice %arg4[%dma_start3A_82, %dma_start3A_83, %dma_start3A_84] : memref<4x64x128xf32, #tpu.memory_space<vmem>> -> memref<2x64x128xf32, #tpu.memory_space<vmem>>
      tpu.enqueue_dma source(%dma_start3A_85 : memref<2x64x128xf32, #tpu.memory_space<vmem>>) target(%dma_start3A_81 : memref<2x64x128xf32, #tpu.memory_space<vmem_shared>>) target_semaphore(%arg8 : memref<!tpu.dma_semaphore, #tpu.memory_space<semaphore_mem>>)
      %dma_start3A_86 = arith.constant 2 : i32
      %dma_start3A_87 = arith.constant 2 : i32
      %dma_start3A_88 = arith.constant 0 : i32
      %dma_start3A_89 = arith.constant 0 : i32
      %dma_start3A_90 = tpu.memref_slice %arg4[%dma_start3A_87, %dma_start3A_88, %dma_start3A_89] : memref<4x64x128xf32, #tpu.memory_space<vmem>> -> memref<2x64x128xf32, #tpu.memory_space<vmem>>
      %dma_start3A_91 = arith.constant 0 : i32
      %dma_start3A_92 = arith.constant 0 : i32
      %dma_start3A_93 = tpu.memref_slice %arg3[%select_n3A, %dma_start3A_91, %dma_start3A_86, %dma_start3A_92, %mul3A_41] : memref<20x8x6x64x1024xf32, #tpu.memory_space<hbm>> -> memref<1x2x1x64x128xf32, #tpu.memory_space<hbm>>
      %dma_start3A_94 = tpu.memref_squeeze %dma_start3A_93 : memref<1x2x1x64x128xf32, #tpu.memory_space<hbm>> -> memref<2x64x128xf32, #tpu.memory_space<hbm>>
      %dma_start3A_95 = arith.constant 0 : i32
      %dma_start3A_96 = arith.constant 0 : i32
      %dma_start3A_97 = tpu.memref_slice %arg3[%select_n3A, %dma_start3A_95, %dma_start3A_86, %dma_start3A_96, %mul3A_41] : memref<20x8x6x64x1024xf32, #tpu.memory_space<hbm>> -> memref<1x2x1x64x128xf32, #tpu.memory_space<hbm>>
      %dma_start3A_98 = tpu.memref_squeeze %dma_start3A_97 : memref<1x2x1x64x128xf32, #tpu.memory_space<hbm>> -> memref<2x64x128xf32, #tpu.memory_space<hbm>>
      %dma_start3A_99 = arith.constant 2 : i32
      %dma_start3A_100 = arith.constant 0 : i32
      %dma_start3A_101 = arith.constant 0 : i32
      %dma_start3A_102 = tpu.memref_slice %arg4[%dma_start3A_99, %dma_start3A_100, %dma_start3A_101] : memref<4x64x128xf32, #tpu.memory_space<vmem>> -> memref<2x64x128xf32, #tpu.memory_space<vmem>>
      tpu.enqueue_dma source(%dma_start3A_102 : memref<2x64x128xf32, #tpu.memory_space<vmem>>) target(%dma_start3A_98 : memref<2x64x128xf32, #tpu.memory_space<hbm>>) target_semaphore(%arg9 : memref<!tpu.dma_semaphore, #tpu.memory_space<semaphore_mem>>)
      %add3A_103 = arith.constant 4 : i32
      %add3A_104 = arith.addi %mul3A_43, %add3A_103 : i32
      %dma_wait3A_105 = arith.constant 0 : i32
      %dma_wait3A_106 = tpu.memref_slice %arg2[%add3A_104, %dma_wait3A_105, %mul3A_41] : memref<400x64x1024xf32, #tpu.memory_space<hbm>> -> memref<4x64x128xf32, #tpu.memory_space<hbm>>
      %dma_wait3A_107 = arith.constant 0 : i32
      %dma_wait3A_108 = tpu.memref_slice %arg2[%add3A_104, %dma_wait3A_107, %mul3A_41] : memref<400x64x1024xf32, #tpu.memory_space<hbm>> -> memref<4x64x128xf32, #tpu.memory_space<hbm>>
      tpu.wait_dma2 semaphore(%arg7 : memref<!tpu.dma_semaphore, #tpu.memory_space<semaphore_mem>>) src(%dma_wait3A_108 : memref<4x64x128xf32, #tpu.memory_space<hbm>>) dst(%arg5 : memref<4x64x128xf32, #tpu.memory_space<vmem>>)
      %dma_wait3A_109 = arith.constant 0 : i32
      %dma_wait3A_110 = arith.constant 0 : i32
      %dma_wait3A_111 = arith.constant 0 : i32
      %dma_wait3A_112 = tpu.memref_slice %arg4[%dma_wait3A_109, %dma_wait3A_110, %dma_wait3A_111] : memref<4x64x128xf32, #tpu.memory_space<vmem>> -> memref<2x64x128xf32, #tpu.memory_space<vmem>>
      %dma_wait3A_113 = arith.constant 0 : i32
      %dma_wait3A_114 = arith.constant 0 : i32
      %dma_wait3A_115 = arith.constant 0 : i32
      %dma_wait3A_116 = tpu.memref_slice %arg6[%arg1, %dma_wait3A_113, %dma_wait3A_114, %dma_wait3A_115] : memref<16x4x64x128xf32, #tpu.memory_space<vmem_shared>> -> memref<1x4x64x128xf32, #tpu.memory_space<vmem_shared>>
      %dma_wait3A_117 = tpu.memref_squeeze %dma_wait3A_116 : memref<1x4x64x128xf32, #tpu.memory_space<vmem_shared>> -> memref<4x64x128xf32, #tpu.memory_space<vmem_shared>>
      %dma_wait3A_118 = arith.constant 0 : i32
      %dma_wait3A_119 = arith.constant 0 : i32
      %dma_wait3A_120 = arith.constant 0 : i32
      %dma_wait3A_121 = tpu.memref_slice %dma_wait3A_117[%dma_wait3A_118, %dma_wait3A_119, %dma_wait3A_120] : memref<4x64x128xf32, #tpu.memory_space<vmem_shared>> -> memref<2x64x128xf32, #tpu.memory_space<vmem_shared>>
      %dma_wait3A_122 = arith.constant 0 : i32
      %dma_wait3A_123 = arith.constant 0 : i32
      %dma_wait3A_124 = arith.constant 0 : i32
      %dma_wait3A_125 = tpu.memref_slice %arg6[%arg1, %dma_wait3A_122, %dma_wait3A_123, %dma_wait3A_124] : memref<16x4x64x128xf32, #tpu.memory_space<vmem_shared>> -> memref<1x4x64x128xf32, #tpu.memory_space<vmem_shared>>
      %dma_wait3A_126 = tpu.memref_squeeze %dma_wait3A_125 : memref<1x4x64x128xf32, #tpu.memory_space<vmem_shared>> -> memref<4x64x128xf32, #tpu.memory_space<vmem_shared>>
      %dma_wait3A_127 = arith.constant 0 : i32
      %dma_wait3A_128 = arith.constant 0 : i32
      %dma_wait3A_129 = arith.constant 0 : i32
      %dma_wait3A_130 = tpu.memref_slice %dma_wait3A_126[%dma_wait3A_127, %dma_wait3A_128, %dma_wait3A_129] : memref<4x64x128xf32, #tpu.memory_space<vmem_shared>> -> memref<2x64x128xf32, #tpu.memory_space<vmem_shared>>
      %dma_wait3A_131 = arith.constant 0 : i32
      %dma_wait3A_132 = arith.constant 0 : i32
      %dma_wait3A_133 = arith.constant 0 : i32
      %dma_wait3A_134 = tpu.memref_slice %arg4[%dma_wait3A_131, %dma_wait3A_132, %dma_wait3A_133] : memref<4x64x128xf32, #tpu.memory_space<vmem>> -> memref<2x64x128xf32, #tpu.memory_space<vmem>>
      tpu.wait_dma2 semaphore(%arg8 : memref<!tpu.dma_semaphore, #tpu.memory_space<semaphore_mem>>) src(%dma_wait3A_134 : memref<2x64x128xf32, #tpu.memory_space<vmem>>) dst(%dma_wait3A_130 : memref<2x64x128xf32, #tpu.memory_space<vmem_shared>>)
      %dma_wait3A_135 = arith.constant 2 : i32
      %dma_wait3A_136 = arith.constant 2 : i32
      %dma_wait3A_137 = arith.constant 0 : i32
      %dma_wait3A_138 = arith.constant 0 : i32
      %dma_wait3A_139 = tpu.memref_slice %arg4[%dma_wait3A_136, %dma_wait3A_137, %dma_wait3A_138] : memref<4x64x128xf32, #tpu.memory_space<vmem>> -> memref<2x64x128xf32, #tpu.memory_space<vmem>>
      %dma_wait3A_140 = arith.constant 0 : i32
      %dma_wait3A_141 = arith.constant 0 : i32
      %dma_wait3A_142 = tpu.memref_slice %arg3[%select_n3A, %dma_wait3A_140, %dma_wait3A_135, %dma_wait3A_141, %mul3A_41] : memref<20x8x6x64x1024xf32, #tpu.memory_space<hbm>> -> memref<1x2x1x64x128xf32, #tpu.memory_space<hbm>>
      %dma_wait3A_143 = tpu.memref_squeeze %dma_wait3A_142 : memref<1x2x1x64x128xf32, #tpu.memory_space<hbm>> -> memref<2x64x128xf32, #tpu.memory_space<hbm>>
      %dma_wait3A_144 = arith.constant 0 : i32
      %dma_wait3A_145 = arith.constant 0 : i32
      %dma_wait3A_146 = tpu.memref_slice %arg3[%select_n3A, %dma_wait3A_144, %dma_wait3A_135, %dma_wait3A_145, %mul3A_41] : memref<20x8x6x64x1024xf32, #tpu.memory_space<hbm>> -> memref<1x2x1x64x128xf32, #tpu.memory_space<hbm>>
      %dma_wait3A_147 = tpu.memref_squeeze %dma_wait3A_146 : memref<1x2x1x64x128xf32, #tpu.memory_space<hbm>> -> memref<2x64x128xf32, #tpu.memory_space<hbm>>
      %dma_wait3A_148 = arith.constant 2 : i32
      %dma_wait3A_149 = arith.constant 0 : i32
      %dma_wait3A_150 = arith.constant 0 : i32
      %dma_wait3A_151 = tpu.memref_slice %arg4[%dma_wait3A_148, %dma_wait3A_149, %dma_wait3A_150] : memref<4x64x128xf32, #tpu.memory_space<vmem>> -> memref<2x64x128xf32, #tpu.memory_space<vmem>>
      tpu.wait_dma2 semaphore(%arg9 : memref<!tpu.dma_semaphore, #tpu.memory_space<semaphore_mem>>) src(%dma_wait3A_151 : memref<2x64x128xf32, #tpu.memory_space<vmem>>) dst(%dma_wait3A_147 : memref<2x64x128xf32, #tpu.memory_space<hbm>>)
      %add3A_152 = arith.constant 8 : i32
      %add3A_153 = arith.addi %mul3A_43, %add3A_152 : i32
      %dma_start3A_154 = arith.constant 0 : i32
      %dma_start3A_155 = tpu.memref_slice %arg2[%add3A_153, %dma_start3A_154, %mul3A_41] : memref<400x64x1024xf32, #tpu.memory_space<hbm>> -> memref<4x64x128xf32, #tpu.memory_space<hbm>>
      %dma_start3A_156 = arith.constant 0 : i32
      %dma_start3A_157 = tpu.memref_slice %arg2[%add3A_153, %dma_start3A_156, %mul3A_41] : memref<400x64x1024xf32, #tpu.memory_space<hbm>> -> memref<4x64x128xf32, #tpu.memory_space<hbm>>
      tpu.enqueue_dma source(%dma_start3A_157 : memref<4x64x128xf32, #tpu.memory_space<hbm>>) target(%arg4 : memref<4x64x128xf32, #tpu.memory_space<vmem>>) target_semaphore(%arg7 : memref<!tpu.dma_semaphore, #tpu.memory_space<semaphore_mem>>)
      %dma_start3A_158 = arith.constant 2 : i32
      %dma_start3A_159 = arith.constant 2 : i32
      %dma_start3A_160 = arith.constant 0 : i32
      %dma_start3A_161 = tpu.memref_slice %arg3[%select_n3A, %dma_start3A_159, %dma_start3A_158, %dma_start3A_160, %mul3A_41] : memref<20x8x6x64x1024xf32, #tpu.memory_space<hbm>> -> memref<1x4x1x64x128xf32, #tpu.memory_space<hbm>>
      %dma_start3A_162 = tpu.memref_squeeze %dma_start3A_161 : memref<1x4x1x64x128xf32, #tpu.memory_space<hbm>> -> memref<4x64x128xf32, #tpu.memory_space<hbm>>
      %dma_start3A_163 = arith.constant 2 : i32
      %dma_start3A_164 = arith.constant 0 : i32
      %dma_start3A_165 = tpu.memref_slice %arg3[%select_n3A, %dma_start3A_163, %dma_start3A_158, %dma_start3A_164, %mul3A_41] : memref<20x8x6x64x1024xf32, #tpu.memory_space<hbm>> -> memref<1x4x1x64x128xf32, #tpu.memory_space<hbm>>
      %dma_start3A_166 = tpu.memref_squeeze %dma_start3A_165 : memref<1x4x1x64x128xf32, #tpu.memory_space<hbm>> -> memref<4x64x128xf32, #tpu.memory_space<hbm>>
      tpu.enqueue_dma source(%arg5 : memref<4x64x128xf32, #tpu.memory_space<vmem>>) target(%dma_start3A_166 : memref<4x64x128xf32, #tpu.memory_space<hbm>>) target_semaphore(%arg9 : memref<!tpu.dma_semaphore, #tpu.memory_space<semaphore_mem>>)
      %dma_start3A_167 = arith.constant 0 : i32
      %dma_start3A_168 = arith.constant 0 : i32
      %dma_start3A_169 = arith.constant 0 : i32
      %dma_start3A_170 = tpu.memref_slice %arg3[%select_n3A, %dma_start3A_167, %dma_start3A_168, %dma_start3A_169, %mul3A_41] : memref<20x8x6x64x1024xf32, #tpu.memory_space<hbm>> -> memref<1x1x2x64x128xf32, #tpu.memory_space<hbm>>
      %dma_start3A_171 = tpu.memref_squeeze %dma_start3A_170 : memref<1x1x2x64x128xf32, #tpu.memory_space<hbm>> -> memref<2x64x128xf32, #tpu.memory_space<hbm>>
      %dma_start3A_172 = arith.constant 0 : i32
      %dma_start3A_173 = arith.constant 0 : i32
      %dma_start3A_174 = arith.constant 0 : i32
      %dma_start3A_175 = tpu.memref_slice %arg6[%arg1, %dma_start3A_172, %dma_start3A_173, %dma_start3A_174] : memref<16x4x64x128xf32, #tpu.memory_space<vmem_shared>> -> memref<1x4x64x128xf32, #tpu.memory_space<vmem_shared>>
      %dma_start3A_176 = tpu.memref_squeeze %dma_start3A_175 : memref<1x4x64x128xf32, #tpu.memory_space<vmem_shared>> -> memref<4x64x128xf32, #tpu.memory_space<vmem_shared>>
      %dma_start3A_177 = arith.constant 0 : i32
      %dma_start3A_178 = arith.constant 0 : i32
      %dma_start3A_179 = arith.constant 0 : i32
      %dma_start3A_180 = tpu.memref_slice %dma_start3A_176[%dma_start3A_177, %dma_start3A_178, %dma_start3A_179] : memref<4x64x128xf32, #tpu.memory_space<vmem_shared>> -> memref<2x64x128xf32, #tpu.memory_space<vmem_shared>>
      tpu.enqueue_dma source(%dma_start3A_180 : memref<2x64x128xf32, #tpu.memory_space<vmem_shared>>) target(%dma_start3A_171 : memref<2x64x128xf32, #tpu.memory_space<hbm>>) target_semaphore(%arg9 : memref<!tpu.dma_semaphore, #tpu.memory_space<semaphore_mem>>)
      %dma_start3A_181 = arith.constant 1 : i32
      %dma_start3A_182 = arith.constant 0 : i32
      %dma_start3A_183 = arith.constant 0 : i32
      %dma_start3A_184 = tpu.memref_slice %arg3[%select_n3A, %dma_start3A_181, %dma_start3A_182, %dma_start3A_183, %mul3A_41] : memref<20x8x6x64x1024xf32, #tpu.memory_space<hbm>> -> memref<1x1x2x64x128xf32, #tpu.memory_space<hbm>>
      %dma_start3A_185 = tpu.memref_squeeze %dma_start3A_184 : memref<1x1x2x64x128xf32, #tpu.memory_space<hbm>> -> memref<2x64x128xf32, #tpu.memory_space<hbm>>
      %dma_start3A_186 = arith.constant 0 : i32
      %dma_start3A_187 = arith.constant 0 : i32
      %dma_start3A_188 = arith.constant 0 : i32
      %dma_start3A_189 = tpu.memref_slice %arg6[%arg1, %dma_start3A_186, %dma_start3A_187, %dma_start3A_188] : memref<16x4x64x128xf32, #tpu.memory_space<vmem_shared>> -> memref<1x4x64x128xf32, #tpu.memory_space<vmem_shared>>
      %dma_start3A_190 = tpu.memref_squeeze %dma_start3A_189 : memref<1x4x64x128xf32, #tpu.memory_space<vmem_shared>> -> memref<4x64x128xf32, #tpu.memory_space<vmem_shared>>
      %dma_start3A_191 = arith.constant 0 : i32
      %dma_start3A_192 = arith.constant 0 : i32
      %dma_start3A_193 = arith.constant 0 : i32
      %dma_start3A_194 = tpu.memref_slice %dma_start3A_190[%dma_start3A_191, %dma_start3A_192, %dma_start3A_193] : memref<4x64x128xf32, #tpu.memory_space<vmem_shared>> -> memref<2x64x128xf32, #tpu.memory_space<vmem_shared>>
      tpu.enqueue_dma source(%dma_start3A_194 : memref<2x64x128xf32, #tpu.memory_space<vmem_shared>>) target(%dma_start3A_185 : memref<2x64x128xf32, #tpu.memory_space<hbm>>) target_semaphore(%arg9 : memref<!tpu.dma_semaphore, #tpu.memory_space<semaphore_mem>>)
      %dma_start3A_195 = arith.constant 2 : i32
      %dma_start3A_196 = arith.constant 0 : i32
      %dma_start3A_197 = arith.constant 0 : i32
      %dma_start3A_198 = tpu.memref_slice %arg3[%select_n3A, %dma_start3A_195, %dma_start3A_196, %dma_start3A_197, %mul3A_41] : memref<20x8x6x64x1024xf32, #tpu.memory_space<hbm>> -> memref<1x1x2x64x128xf32, #tpu.memory_space<hbm>>
      %dma_start3A_199 = tpu.memref_squeeze %dma_start3A_198 : memref<1x1x2x64x128xf32, #tpu.memory_space<hbm>> -> memref<2x64x128xf32, #tpu.memory_space<hbm>>
      %dma_start3A_200 = arith.constant 0 : i32
      %dma_start3A_201 = arith.constant 0 : i32
      %dma_start3A_202 = arith.constant 0 : i32
      %dma_start3A_203 = tpu.memref_slice %arg6[%arg1, %dma_start3A_200, %dma_start3A_201, %dma_start3A_202] : memref<16x4x64x128xf32, #tpu.memory_space<vmem_shared>> -> memref<1x4x64x128xf32, #tpu.memory_space<vmem_shared>>
      %dma_start3A_204 = tpu.memref_squeeze %dma_start3A_203 : memref<1x4x64x128xf32, #tpu.memory_space<vmem_shared>> -> memref<4x64x128xf32, #tpu.memory_space<vmem_shared>>
      %dma_start3A_205 = arith.constant 0 : i32
      %dma_start3A_206 = arith.constant 0 : i32
      %dma_start3A_207 = arith.constant 0 : i32
      %dma_start3A_208 = tpu.memref_slice %dma_start3A_204[%dma_start3A_205, %dma_start3A_206, %dma_start3A_207] : memref<4x64x128xf32, #tpu.memory_space<vmem_shared>> -> memref<2x64x128xf32, #tpu.memory_space<vmem_shared>>
      tpu.enqueue_dma source(%dma_start3A_208 : memref<2x64x128xf32, #tpu.memory_space<vmem_shared>>) target(%dma_start3A_199 : memref<2x64x128xf32, #tpu.memory_space<hbm>>) target_semaphore(%arg9 : memref<!tpu.dma_semaphore, #tpu.memory_space<semaphore_mem>>)
      %dma_start3A_209 = arith.constant 3 : i32
      %dma_start3A_210 = arith.constant 0 : i32
      %dma_start3A_211 = arith.constant 0 : i32
      %dma_start3A_212 = tpu.memref_slice %arg3[%select_n3A, %dma_start3A_209, %dma_start3A_210, %dma_start3A_211, %mul3A_41] : memref<20x8x6x64x1024xf32, #tpu.memory_space<hbm>> -> memref<1x1x2x64x128xf32, #tpu.memory_space<hbm>>
      %dma_start3A_213 = tpu.memref_squeeze %dma_start3A_212 : memref<1x1x2x64x128xf32, #tpu.memory_space<hbm>> -> memref<2x64x128xf32, #tpu.memory_space<hbm>>
      %dma_start3A_214 = arith.constant 0 : i32
      %dma_start3A_215 = arith.constant 0 : i32
      %dma_start3A_216 = arith.constant 0 : i32
      %dma_start3A_217 = tpu.memref_slice %arg6[%arg1, %dma_start3A_214, %dma_start3A_215, %dma_start3A_216] : memref<16x4x64x128xf32, #tpu.memory_space<vmem_shared>> -> memref<1x4x64x128xf32, #tpu.memory_space<vmem_shared>>
      %dma_start3A_218 = tpu.memref_squeeze %dma_start3A_217 : memref<1x4x64x128xf32, #tpu.memory_space<vmem_shared>> -> memref<4x64x128xf32, #tpu.memory_space<vmem_shared>>
      %dma_start3A_219 = arith.constant 0 : i32
      %dma_start3A_220 = arith.constant 0 : i32
      %dma_start3A_221 = arith.constant 0 : i32
      %dma_start3A_222 = tpu.memref_slice %dma_start3A_218[%dma_start3A_219, %dma_start3A_220, %dma_start3A_221] : memref<4x64x128xf32, #tpu.memory_space<vmem_shared>> -> memref<2x64x128xf32, #tpu.memory_space<vmem_shared>>
      tpu.enqueue_dma source(%dma_start3A_222 : memref<2x64x128xf32, #tpu.memory_space<vmem_shared>>) target(%dma_start3A_213 : memref<2x64x128xf32, #tpu.memory_space<hbm>>) target_semaphore(%arg9 : memref<!tpu.dma_semaphore, #tpu.memory_space<semaphore_mem>>)
      %dma_start3A_223 = arith.constant 4 : i32
      %dma_start3A_224 = arith.constant 0 : i32
      %dma_start3A_225 = arith.constant 0 : i32
      %dma_start3A_226 = tpu.memref_slice %arg3[%select_n3A, %dma_start3A_223, %dma_start3A_224, %dma_start3A_225, %mul3A_41] : memref<20x8x6x64x1024xf32, #tpu.memory_space<hbm>> -> memref<1x1x2x64x128xf32, #tpu.memory_space<hbm>>
      %dma_start3A_227 = tpu.memref_squeeze %dma_start3A_226 : memref<1x1x2x64x128xf32, #tpu.memory_space<hbm>> -> memref<2x64x128xf32, #tpu.memory_space<hbm>>
      %dma_start3A_228 = arith.constant 0 : i32
      %dma_start3A_229 = arith.constant 0 : i32
      %dma_start3A_230 = arith.constant 0 : i32
      %dma_start3A_231 = tpu.memref_slice %arg6[%arg1, %dma_start3A_228, %dma_start3A_229, %dma_start3A_230] : memref<16x4x64x128xf32, #tpu.memory_space<vmem_shared>> -> memref<1x4x64x128xf32, #tpu.memory_space<vmem_shared>>
      %dma_start3A_232 = tpu.memref_squeeze %dma_start3A_231 : memref<1x4x64x128xf32, #tpu.memory_space<vmem_shared>> -> memref<4x64x128xf32, #tpu.memory_space<vmem_shared>>
      %dma_start3A_233 = arith.constant 0 : i32
      %dma_start3A_234 = arith.constant 0 : i32
      %dma_start3A_235 = arith.constant 0 : i32
      %dma_start3A_236 = tpu.memref_slice %dma_start3A_232[%dma_start3A_233, %dma_start3A_234, %dma_start3A_235] : memref<4x64x128xf32, #tpu.memory_space<vmem_shared>> -> memref<2x64x128xf32, #tpu.memory_space<vmem_shared>>
      tpu.enqueue_dma source(%dma_start3A_236 : memref<2x64x128xf32, #tpu.memory_space<vmem_shared>>) target(%dma_start3A_227 : memref<2x64x128xf32, #tpu.memory_space<hbm>>) target_semaphore(%arg9 : memref<!tpu.dma_semaphore, #tpu.memory_space<semaphore_mem>>)
      %dma_start3A_237 = arith.constant 5 : i32
      %dma_start3A_238 = arith.constant 0 : i32
      %dma_start3A_239 = arith.constant 0 : i32
      %dma_start3A_240 = tpu.memref_slice %arg3[%select_n3A, %dma_start3A_237, %dma_start3A_238, %dma_start3A_239, %mul3A_41] : memref<20x8x6x64x1024xf32, #tpu.memory_space<hbm>> -> memref<1x1x2x64x128xf32, #tpu.memory_space<hbm>>
      %dma_start3A_241 = tpu.memref_squeeze %dma_start3A_240 : memref<1x1x2x64x128xf32, #tpu.memory_space<hbm>> -> memref<2x64x128xf32, #tpu.memory_space<hbm>>
      %dma_start3A_242 = arith.constant 0 : i32
      %dma_start3A_243 = arith.constant 0 : i32
      %dma_start3A_244 = arith.constant 0 : i32
      %dma_start3A_245 = tpu.memref_slice %arg6[%arg1, %dma_start3A_242, %dma_start3A_243, %dma_start3A_244] : memref<16x4x64x128xf32, #tpu.memory_space<vmem_shared>> -> memref<1x4x64x128xf32, #tpu.memory_space<vmem_shared>>
      %dma_start3A_246 = tpu.memref_squeeze %dma_start3A_245 : memref<1x4x64x128xf32, #tpu.memory_space<vmem_shared>> -> memref<4x64x128xf32, #tpu.memory_space<vmem_shared>>
      %dma_start3A_247 = arith.constant 0 : i32
      %dma_start3A_248 = arith.constant 0 : i32
      %dma_start3A_249 = arith.constant 0 : i32
      %dma_start3A_250 = tpu.memref_slice %dma_start3A_246[%dma_start3A_247, %dma_start3A_248, %dma_start3A_249] : memref<4x64x128xf32, #tpu.memory_space<vmem_shared>> -> memref<2x64x128xf32, #tpu.memory_space<vmem_shared>>
      tpu.enqueue_dma source(%dma_start3A_250 : memref<2x64x128xf32, #tpu.memory_space<vmem_shared>>) target(%dma_start3A_241 : memref<2x64x128xf32, #tpu.memory_space<hbm>>) target_semaphore(%arg9 : memref<!tpu.dma_semaphore, #tpu.memory_space<semaphore_mem>>)
      %dma_start3A_251 = arith.constant 6 : i32
      %dma_start3A_252 = arith.constant 0 : i32
      %dma_start3A_253 = arith.constant 0 : i32
      %dma_start3A_254 = tpu.memref_slice %arg3[%select_n3A, %dma_start3A_251, %dma_start3A_252, %dma_start3A_253, %mul3A_41] : memref<20x8x6x64x1024xf32, #tpu.memory_space<hbm>> -> memref<1x1x2x64x128xf32, #tpu.memory_space<hbm>>
      %dma_start3A_255 = tpu.memref_squeeze %dma_start3A_254 : memref<1x1x2x64x128xf32, #tpu.memory_space<hbm>> -> memref<2x64x128xf32, #tpu.memory_space<hbm>>
      %dma_start3A_256 = arith.constant 0 : i32
      %dma_start3A_257 = arith.constant 0 : i32
      %dma_start3A_258 = arith.constant 0 : i32
      %dma_start3A_259 = tpu.memref_slice %arg6[%arg1, %dma_start3A_256, %dma_start3A_257, %dma_start3A_258] : memref<16x4x64x128xf32, #tpu.memory_space<vmem_shared>> -> memref<1x4x64x128xf32, #tpu.memory_space<vmem_shared>>
      %dma_start3A_260 = tpu.memref_squeeze %dma_start3A_259 : memref<1x4x64x128xf32, #tpu.memory_space<vmem_shared>> -> memref<4x64x128xf32, #tpu.memory_space<vmem_shared>>
      %dma_start3A_261 = arith.constant 0 : i32
      %dma_start3A_262 = arith.constant 0 : i32
      %dma_start3A_263 = arith.constant 0 : i32
      %dma_start3A_264 = tpu.memref_slice %dma_start3A_260[%dma_start3A_261, %dma_start3A_262, %dma_start3A_263] : memref<4x64x128xf32, #tpu.memory_space<vmem_shared>> -> memref<2x64x128xf32, #tpu.memory_space<vmem_shared>>
      tpu.enqueue_dma source(%dma_start3A_264 : memref<2x64x128xf32, #tpu.memory_space<vmem_shared>>) target(%dma_start3A_255 : memref<2x64x128xf32, #tpu.memory_space<hbm>>) target_semaphore(%arg9 : memref<!tpu.dma_semaphore, #tpu.memory_space<semaphore_mem>>)
      %dma_start3A_265 = arith.constant 7 : i32
      %dma_start3A_266 = arith.constant 0 : i32
      %dma_start3A_267 = arith.constant 0 : i32
      %dma_start3A_268 = tpu.memref_slice %arg3[%select_n3A, %dma_start3A_265, %dma_start3A_266, %dma_start3A_267, %mul3A_41] : memref<20x8x6x64x1024xf32, #tpu.memory_space<hbm>> -> memref<1x1x2x64x128xf32, #tpu.memory_space<hbm>>
      %dma_start3A_269 = tpu.memref_squeeze %dma_start3A_268 : memref<1x1x2x64x128xf32, #tpu.memory_space<hbm>> -> memref<2x64x128xf32, #tpu.memory_space<hbm>>
      %dma_start3A_270 = arith.constant 0 : i32
      %dma_start3A_271 = arith.constant 0 : i32
      %dma_start3A_272 = arith.constant 0 : i32
      %dma_start3A_273 = tpu.memref_slice %arg6[%arg1, %dma_start3A_270, %dma_start3A_271, %dma_start3A_272] : memref<16x4x64x128xf32, #tpu.memory_space<vmem_shared>> -> memref<1x4x64x128xf32, #tpu.memory_space<vmem_shared>>
      %dma_start3A_274 = tpu.memref_squeeze %dma_start3A_273 : memref<1x4x64x128xf32, #tpu.memory_space<vmem_shared>> -> memref<4x64x128xf32, #tpu.memory_space<vmem_shared>>
      %dma_start3A_275 = arith.constant 0 : i32
      %dma_start3A_276 = arith.constant 0 : i32
      %dma_start3A_277 = arith.constant 0 : i32
      %dma_start3A_278 = tpu.memref_slice %dma_start3A_274[%dma_start3A_275, %dma_start3A_276, %dma_start3A_277] : memref<4x64x128xf32, #tpu.memory_space<vmem_shared>> -> memref<2x64x128xf32, #tpu.memory_space<vmem_shared>>
      tpu.enqueue_dma source(%dma_start3A_278 : memref<2x64x128xf32, #tpu.memory_space<vmem_shared>>) target(%dma_start3A_269 : memref<2x64x128xf32, #tpu.memory_space<hbm>>) target_semaphore(%arg9 : memref<!tpu.dma_semaphore, #tpu.memory_space<semaphore_mem>>)
      %add3A_279 = arith.constant 8 : i32
      %add3A_280 = arith.addi %mul3A_43, %add3A_279 : i32
      %dma_wait3A_281 = arith.constant 0 : i32
      %dma_wait3A_282 = tpu.memref_slice %arg2[%add3A_280, %dma_wait3A_281, %mul3A_41] : memref<400x64x1024xf32, #tpu.memory_space<hbm>> -> memref<4x64x128xf32, #tpu.memory_space<hbm>>
      %dma_wait3A_283 = arith.constant 0 : i32
      %dma_wait3A_284 = tpu.memref_slice %arg2[%add3A_280, %dma_wait3A_283, %mul3A_41] : memref<400x64x1024xf32, #tpu.memory_space<hbm>> -> memref<4x64x128xf32, #tpu.memory_space<hbm>>
      tpu.wait_dma2 semaphore(%arg7 : memref<!tpu.dma_semaphore, #tpu.memory_space<semaphore_mem>>) src(%dma_wait3A_284 : memref<4x64x128xf32, #tpu.memory_space<hbm>>) dst(%arg4 : memref<4x64x128xf32, #tpu.memory_space<vmem>>)
      %dma_wait3A_285 = arith.constant 2 : i32
      %dma_wait3A_286 = arith.constant 2 : i32
      %dma_wait3A_287 = arith.constant 0 : i32
      %dma_wait3A_288 = tpu.memref_slice %arg3[%select_n3A, %dma_wait3A_286, %dma_wait3A_285, %dma_wait3A_287, %mul3A_41] : memref<20x8x6x64x1024xf32, #tpu.memory_space<hbm>> -> memref<1x4x1x64x128xf32, #tpu.memory_space<hbm>>
      %dma_wait3A_289 = tpu.memref_squeeze %dma_wait3A_288 : memref<1x4x1x64x128xf32, #tpu.memory_space<hbm>> -> memref<4x64x128xf32, #tpu.memory_space<hbm>>
      %dma_wait3A_290 = arith.constant 2 : i32
      %dma_wait3A_291 = arith.constant 0 : i32
      %dma_wait3A_292 = tpu.memref_slice %arg3[%select_n3A, %dma_wait3A_290, %dma_wait3A_285, %dma_wait3A_291, %mul3A_41] : memref<20x8x6x64x1024xf32, #tpu.memory_space<hbm>> -> memref<1x4x1x64x128xf32, #tpu.memory_space<hbm>>
      %dma_wait3A_293 = tpu.memref_squeeze %dma_wait3A_292 : memref<1x4x1x64x128xf32, #tpu.memory_space<hbm>> -> memref<4x64x128xf32, #tpu.memory_space<hbm>>
      tpu.wait_dma2 semaphore(%arg9 : memref<!tpu.dma_semaphore, #tpu.memory_space<semaphore_mem>>) src(%arg5 : memref<4x64x128xf32, #tpu.memory_space<vmem>>) dst(%dma_wait3A_293 : memref<4x64x128xf32, #tpu.memory_space<hbm>>)
      %add3A_294 = arith.constant 12 : i32
      %add3A_295 = arith.addi %mul3A_43, %add3A_294 : i32
      %dma_start3A_296 = arith.constant 0 : i32
      %dma_start3A_297 = tpu.memref_slice %arg2[%add3A_295, %dma_start3A_296, %mul3A_41] : memref<400x64x1024xf32, #tpu.memory_space<hbm>> -> memref<4x64x128xf32, #tpu.memory_space<hbm>>
      %dma_start3A_298 = arith.constant 0 : i32
      %dma_start3A_299 = tpu.memref_slice %arg2[%add3A_295, %dma_start3A_298, %mul3A_41] : memref<400x64x1024xf32, #tpu.memory_space<hbm>> -> memref<4x64x128xf32, #tpu.memory_space<hbm>>
      tpu.enqueue_dma source(%dma_start3A_299 : memref<4x64x128xf32, #tpu.memory_space<hbm>>) target(%arg5 : memref<4x64x128xf32, #tpu.memory_space<vmem>>) target_semaphore(%arg7 : memref<!tpu.dma_semaphore, #tpu.memory_space<semaphore_mem>>)
      %dma_start3A_300 = arith.constant 2 : i32
      %dma_start3A_301 = arith.constant 0 : i32
      %dma_start3A_302 = arith.constant 0 : i32
      %dma_start3A_303 = arith.constant 0 : i32
      %dma_start3A_304 = tpu.memref_slice %arg4[%dma_start3A_301, %dma_start3A_302, %dma_start3A_303] : memref<4x64x128xf32, #tpu.memory_space<vmem>> -> memref<2x64x128xf32, #tpu.memory_space<vmem>>
      %dma_start3A_305 = arith.constant 6 : i32
      %dma_start3A_306 = arith.constant 0 : i32
      %dma_start3A_307 = tpu.memref_slice %arg3[%select_n3A, %dma_start3A_305, %dma_start3A_300, %dma_start3A_306, %mul3A_41] : memref<20x8x6x64x1024xf32, #tpu.memory_space<hbm>> -> memref<1x2x1x64x128xf32, #tpu.memory_space<hbm>>
      %dma_start3A_308 = tpu.memref_squeeze %dma_start3A_307 : memref<1x2x1x64x128xf32, #tpu.memory_space<hbm>> -> memref<2x64x128xf32, #tpu.memory_space<hbm>>
      %dma_start3A_309 = arith.constant 6 : i32
      %dma_start3A_310 = arith.constant 0 : i32
      %dma_start3A_311 = tpu.memref_slice %arg3[%select_n3A, %dma_start3A_309, %dma_start3A_300, %dma_start3A_310, %mul3A_41] : memref<20x8x6x64x1024xf32, #tpu.memory_space<hbm>> -> memref<1x2x1x64x128xf32, #tpu.memory_space<hbm>>
      %dma_start3A_312 = tpu.memref_squeeze %dma_start3A_311 : memref<1x2x1x64x128xf32, #tpu.memory_space<hbm>> -> memref<2x64x128xf32, #tpu.memory_space<hbm>>
      %dma_start3A_313 = arith.constant 0 : i32
      %dma_start3A_314 = arith.constant 0 : i32
      %dma_start3A_315 = arith.constant 0 : i32
      %dma_start3A_316 = tpu.memref_slice %arg4[%dma_start3A_313, %dma_start3A_314, %dma_start3A_315] : memref<4x64x128xf32, #tpu.memory_space<vmem>> -> memref<2x64x128xf32, #tpu.memory_space<vmem>>
      tpu.enqueue_dma source(%dma_start3A_316 : memref<2x64x128xf32, #tpu.memory_space<vmem>>) target(%dma_start3A_312 : memref<2x64x128xf32, #tpu.memory_space<hbm>>) target_semaphore(%arg9 : memref<!tpu.dma_semaphore, #tpu.memory_space<semaphore_mem>>)
      %dma_start3A_317 = arith.constant 2 : i32
      %dma_start3A_318 = arith.constant 0 : i32
      %dma_start3A_319 = arith.constant 0 : i32
      %dma_start3A_320 = tpu.memref_slice %arg4[%dma_start3A_317, %dma_start3A_318, %dma_start3A_319] : memref<4x64x128xf32, #tpu.memory_space<vmem>> -> memref<2x64x128xf32, #tpu.memory_space<vmem>>
      %dma_start3A_321 = arith.constant 0 : i32
      %dma_start3A_322 = arith.constant 0 : i32
      %dma_start3A_323 = arith.constant 0 : i32
      %dma_start3A_324 = tpu.memref_slice %arg6[%arg1, %dma_start3A_321, %dma_start3A_322, %dma_start3A_323] : memref<16x4x64x128xf32, #tpu.memory_space<vmem_shared>> -> memref<1x4x64x128xf32, #tpu.memory_space<vmem_shared>>
      %dma_start3A_325 = tpu.memref_squeeze %dma_start3A_324 : memref<1x4x64x128xf32, #tpu.memory_space<vmem_shared>> -> memref<4x64x128xf32, #tpu.memory_space<vmem_shared>>
      %dma_start3A_326 = arith.constant 2 : i32
      %dma_start3A_327 = arith.constant 0 : i32
      %dma_start3A_328 = arith.constant 0 : i32
      %dma_start3A_329 = tpu.memref_slice %dma_start3A_325[%dma_start3A_326, %dma_start3A_327, %dma_start3A_328] : memref<4x64x128xf32, #tpu.memory_space<vmem_shared>> -> memref<2x64x128xf32, #tpu.memory_space<vmem_shared>>
      %dma_start3A_330 = arith.constant 0 : i32
      %dma_start3A_331 = arith.constant 0 : i32
      %dma_start3A_332 = arith.constant 0 : i32
      %dma_start3A_333 = tpu.memref_slice %arg6[%arg1, %dma_start3A_330, %dma_start3A_331, %dma_start3A_332] : memref<16x4x64x128xf32, #tpu.memory_space<vmem_shared>> -> memref<1x4x64x128xf32, #tpu.memory_space<vmem_shared>>
      %dma_start3A_334 = tpu.memref_squeeze %dma_start3A_333 : memref<1x4x64x128xf32, #tpu.memory_space<vmem_shared>> -> memref<4x64x128xf32, #tpu.memory_space<vmem_shared>>
      %dma_start3A_335 = arith.constant 2 : i32
      %dma_start3A_336 = arith.constant 0 : i32
      %dma_start3A_337 = arith.constant 0 : i32
      %dma_start3A_338 = tpu.memref_slice %dma_start3A_334[%dma_start3A_335, %dma_start3A_336, %dma_start3A_337] : memref<4x64x128xf32, #tpu.memory_space<vmem_shared>> -> memref<2x64x128xf32, #tpu.memory_space<vmem_shared>>
      %dma_start3A_339 = arith.constant 2 : i32
      %dma_start3A_340 = arith.constant 0 : i32
      %dma_start3A_341 = arith.constant 0 : i32
      %dma_start3A_342 = tpu.memref_slice %arg4[%dma_start3A_339, %dma_start3A_340, %dma_start3A_341] : memref<4x64x128xf32, #tpu.memory_space<vmem>> -> memref<2x64x128xf32, #tpu.memory_space<vmem>>
      tpu.enqueue_dma source(%dma_start3A_342 : memref<2x64x128xf32, #tpu.memory_space<vmem>>) target(%dma_start3A_338 : memref<2x64x128xf32, #tpu.memory_space<vmem_shared>>) target_semaphore(%arg8 : memref<!tpu.dma_semaphore, #tpu.memory_space<semaphore_mem>>)
      %add3A_343 = arith.constant 12 : i32
      %add3A_344 = arith.addi %mul3A_43, %add3A_343 : i32
      %dma_wait3A_345 = arith.constant 0 : i32
      %dma_wait3A_346 = tpu.memref_slice %arg2[%add3A_344, %dma_wait3A_345, %mul3A_41] : memref<400x64x1024xf32, #tpu.memory_space<hbm>> -> memref<4x64x128xf32, #tpu.memory_space<hbm>>
      %dma_wait3A_347 = arith.constant 0 : i32
      %dma_wait3A_348 = tpu.memref_slice %arg2[%add3A_344, %dma_wait3A_347, %mul3A_41] : memref<400x64x1024xf32, #tpu.memory_space<hbm>> -> memref<4x64x128xf32, #tpu.memory_space<hbm>>
      tpu.wait_dma2 semaphore(%arg7 : memref<!tpu.dma_semaphore, #tpu.memory_space<semaphore_mem>>) src(%dma_wait3A_348 : memref<4x64x128xf32, #tpu.memory_space<hbm>>) dst(%arg5 : memref<4x64x128xf32, #tpu.memory_space<vmem>>)
      %dma_wait3A_349 = arith.constant 2 : i32
      %dma_wait3A_350 = arith.constant 0 : i32
      %dma_wait3A_351 = arith.constant 0 : i32
      %dma_wait3A_352 = arith.constant 0 : i32
      %dma_wait3A_353 = tpu.memref_slice %arg4[%dma_wait3A_350, %dma_wait3A_351, %dma_wait3A_352] : memref<4x64x128xf32, #tpu.memory_space<vmem>> -> memref<2x64x128xf32, #tpu.memory_space<vmem>>
      %dma_wait3A_354 = arith.constant 6 : i32
      %dma_wait3A_355 = arith.constant 0 : i32
      %dma_wait3A_356 = tpu.memref_slice %arg3[%select_n3A, %dma_wait3A_354, %dma_wait3A_349, %dma_wait3A_355, %mul3A_41] : memref<20x8x6x64x1024xf32, #tpu.memory_space<hbm>> -> memref<1x2x1x64x128xf32, #tpu.memory_space<hbm>>
      %dma_wait3A_357 = tpu.memref_squeeze %dma_wait3A_356 : memref<1x2x1x64x128xf32, #tpu.memory_space<hbm>> -> memref<2x64x128xf32, #tpu.memory_space<hbm>>
      %dma_wait3A_358 = arith.constant 6 : i32
      %dma_wait3A_359 = arith.constant 0 : i32
      %dma_wait3A_360 = tpu.memref_slice %arg3[%select_n3A, %dma_wait3A_358, %dma_wait3A_349, %dma_wait3A_359, %mul3A_41] : memref<20x8x6x64x1024xf32, #tpu.memory_space<hbm>> -> memref<1x2x1x64x128xf32, #tpu.memory_space<hbm>>
      %dma_wait3A_361 = tpu.memref_squeeze %dma_wait3A_360 : memref<1x2x1x64x128xf32, #tpu.memory_space<hbm>> -> memref<2x64x128xf32, #tpu.memory_space<hbm>>
      %dma_wait3A_362 = arith.constant 0 : i32
      %dma_wait3A_363 = arith.constant 0 : i32
      %dma_wait3A_364 = arith.constant 0 : i32
      %dma_wait3A_365 = tpu.memref_slice %arg4[%dma_wait3A_362, %dma_wait3A_363, %dma_wait3A_364] : memref<4x64x128xf32, #tpu.memory_space<vmem>> -> memref<2x64x128xf32, #tpu.memory_space<vmem>>
      tpu.wait_dma2 semaphore(%arg9 : memref<!tpu.dma_semaphore, #tpu.memory_space<semaphore_mem>>) src(%dma_wait3A_365 : memref<2x64x128xf32, #tpu.memory_space<vmem>>) dst(%dma_wait3A_361 : memref<2x64x128xf32, #tpu.memory_space<hbm>>)
      %dma_wait3A_366 = arith.constant 2 : i32
      %dma_wait3A_367 = arith.constant 0 : i32
      %dma_wait3A_368 = arith.constant 0 : i32
      %dma_wait3A_369 = tpu.memref_slice %arg4[%dma_wait3A_366, %dma_wait3A_367, %dma_wait3A_368] : memref<4x64x128xf32, #tpu.memory_space<vmem>> -> memref<2x64x128xf32, #tpu.memory_space<vmem>>
      %dma_wait3A_370 = arith.constant 0 : i32
      %dma_wait3A_371 = arith.constant 0 : i32
      %dma_wait3A_372 = arith.constant 0 : i32
      %dma_wait3A_373 = tpu.memref_slice %arg6[%arg1, %dma_wait3A_370, %dma_wait3A_371, %dma_wait3A_372] : memref<16x4x64x128xf32, #tpu.memory_space<vmem_shared>> -> memref<1x4x64x128xf32, #tpu.memory_space<vmem_shared>>
      %dma_wait3A_374 = tpu.memref_squeeze %dma_wait3A_373 : memref<1x4x64x128xf32, #tpu.memory_space<vmem_shared>> -> memref<4x64x128xf32, #tpu.memory_space<vmem_shared>>
      %dma_wait3A_375 = arith.constant 2 : i32
      %dma_wait3A_376 = arith.constant 0 : i32
      %dma_wait3A_377 = arith.constant 0 : i32
      %dma_wait3A_378 = tpu.memref_slice %dma_wait3A_374[%dma_wait3A_375, %dma_wait3A_376, %dma_wait3A_377] : memref<4x64x128xf32, #tpu.memory_space<vmem_shared>> -> memref<2x64x128xf32, #tpu.memory_space<vmem_shared>>
      %dma_wait3A_379 = arith.constant 0 : i32
      %dma_wait3A_380 = arith.constant 0 : i32
      %dma_wait3A_381 = arith.constant 0 : i32
      %dma_wait3A_382 = tpu.memref_slice %arg6[%arg1, %dma_wait3A_379, %dma_wait3A_380, %dma_wait3A_381] : memref<16x4x64x128xf32, #tpu.memory_space<vmem_shared>> -> memref<1x4x64x128xf32, #tpu.memory_space<vmem_shared>>
      %dma_wait3A_383 = tpu.memref_squeeze %dma_wait3A_382 : memref<1x4x64x128xf32, #tpu.memory_space<vmem_shared>> -> memref<4x64x128xf32, #tpu.memory_space<vmem_shared>>
      %dma_wait3A_384 = arith.constant 2 : i32
      %dma_wait3A_385 = arith.constant 0 : i32
      %dma_wait3A_386 = arith.constant 0 : i32
      %dma_wait3A_387 = tpu.memref_slice %dma_wait3A_383[%dma_wait3A_384, %dma_wait3A_385, %dma_wait3A_386] : memref<4x64x128xf32, #tpu.memory_space<vmem_shared>> -> memref<2x64x128xf32, #tpu.memory_space<vmem_shared>>
      %dma_wait3A_388 = arith.constant 2 : i32
      %dma_wait3A_389 = arith.constant 0 : i32
      %dma_wait3A_390 = arith.constant 0 : i32
      %dma_wait3A_391 = tpu.memref_slice %arg4[%dma_wait3A_388, %dma_wait3A_389, %dma_wait3A_390] : memref<4x64x128xf32, #tpu.memory_space<vmem>> -> memref<2x64x128xf32, #tpu.memory_space<vmem>>
      tpu.wait_dma2 semaphore(%arg8 : memref<!tpu.dma_semaphore, #tpu.memory_space<semaphore_mem>>) src(%dma_wait3A_391 : memref<2x64x128xf32, #tpu.memory_space<vmem>>) dst(%dma_wait3A_387 : memref<2x64x128xf32, #tpu.memory_space<vmem_shared>>)
      %add3A_392 = arith.constant 16 : i32
      %add3A_393 = arith.addi %mul3A_43, %add3A_392 : i32
      %dma_start3A_394 = arith.constant 0 : i32
      %dma_start3A_395 = tpu.memref_slice %arg2[%add3A_393, %dma_start3A_394, %mul3A_41] : memref<400x64x1024xf32, #tpu.memory_space<hbm>> -> memref<4x64x128xf32, #tpu.memory_space<hbm>>
      %dma_start3A_396 = arith.constant 0 : i32
      %dma_start3A_397 = tpu.memref_slice %arg2[%add3A_393, %dma_start3A_396, %mul3A_41] : memref<400x64x1024xf32, #tpu.memory_space<hbm>> -> memref<4x64x128xf32, #tpu.memory_space<hbm>>
      tpu.enqueue_dma source(%dma_start3A_397 : memref<4x64x128xf32, #tpu.memory_space<hbm>>) target(%arg4 : memref<4x64x128xf32, #tpu.memory_space<vmem>>) target_semaphore(%arg7 : memref<!tpu.dma_semaphore, #tpu.memory_space<semaphore_mem>>)
      %dma_start3A_398 = arith.constant 5 : i32
      %dma_start3A_399 = arith.constant 0 : i32
      %dma_start3A_400 = arith.constant 0 : i32
      %dma_start3A_401 = tpu.memref_slice %arg3[%select_n3A, %dma_start3A_399, %dma_start3A_398, %dma_start3A_400, %mul3A_41] : memref<20x8x6x64x1024xf32, #tpu.memory_space<hbm>> -> memref<1x4x1x64x128xf32, #tpu.memory_space<hbm>>
      %dma_start3A_402 = tpu.memref_squeeze %dma_start3A_401 : memref<1x4x1x64x128xf32, #tpu.memory_space<hbm>> -> memref<4x64x128xf32, #tpu.memory_space<hbm>>
      %dma_start3A_403 = arith.constant 0 : i32
      %dma_start3A_404 = arith.constant 0 : i32
      %dma_start3A_405 = tpu.memref_slice %arg3[%select_n3A, %dma_start3A_403, %dma_start3A_398, %dma_start3A_404, %mul3A_41] : memref<20x8x6x64x1024xf32, #tpu.memory_space<hbm>> -> memref<1x4x1x64x128xf32, #tpu.memory_space<hbm>>
      %dma_start3A_406 = tpu.memref_squeeze %dma_start3A_405 : memref<1x4x1x64x128xf32, #tpu.memory_space<hbm>> -> memref<4x64x128xf32, #tpu.memory_space<hbm>>
      tpu.enqueue_dma source(%arg5 : memref<4x64x128xf32, #tpu.memory_space<vmem>>) target(%dma_start3A_406 : memref<4x64x128xf32, #tpu.memory_space<hbm>>) target_semaphore(%arg9 : memref<!tpu.dma_semaphore, #tpu.memory_space<semaphore_mem>>)
      %dma_start3A_407 = arith.constant 0 : i32
      %dma_start3A_408 = arith.constant 3 : i32
      %dma_start3A_409 = arith.constant 0 : i32
      %dma_start3A_410 = tpu.memref_slice %arg3[%select_n3A, %dma_start3A_407, %dma_start3A_408, %dma_start3A_409, %mul3A_41] : memref<20x8x6x64x1024xf32, #tpu.memory_space<hbm>> -> memref<1x1x2x64x128xf32, #tpu.memory_space<hbm>>
      %dma_start3A_411 = tpu.memref_squeeze %dma_start3A_410 : memref<1x1x2x64x128xf32, #tpu.memory_space<hbm>> -> memref<2x64x128xf32, #tpu.memory_space<hbm>>
      %dma_start3A_412 = arith.constant 0 : i32
      %dma_start3A_413 = arith.constant 0 : i32
      %dma_start3A_414 = arith.constant 0 : i32
      %dma_start3A_415 = tpu.memref_slice %arg6[%arg1, %dma_start3A_412, %dma_start3A_413, %dma_start3A_414] : memref<16x4x64x128xf32, #tpu.memory_space<vmem_shared>> -> memref<1x4x64x128xf32, #tpu.memory_space<vmem_shared>>
      %dma_start3A_416 = tpu.memref_squeeze %dma_start3A_415 : memref<1x4x64x128xf32, #tpu.memory_space<vmem_shared>> -> memref<4x64x128xf32, #tpu.memory_space<vmem_shared>>
      %dma_start3A_417 = arith.constant 2 : i32
      %dma_start3A_418 = arith.constant 0 : i32
      %dma_start3A_419 = arith.constant 0 : i32
      %dma_start3A_420 = tpu.memref_slice %dma_start3A_416[%dma_start3A_417, %dma_start3A_418, %dma_start3A_419] : memref<4x64x128xf32, #tpu.memory_space<vmem_shared>> -> memref<2x64x128xf32, #tpu.memory_space<vmem_shared>>
      tpu.enqueue_dma source(%dma_start3A_420 : memref<2x64x128xf32, #tpu.memory_space<vmem_shared>>) target(%dma_start3A_411 : memref<2x64x128xf32, #tpu.memory_space<hbm>>) target_semaphore(%arg9 : memref<!tpu.dma_semaphore, #tpu.memory_space<semaphore_mem>>)
      %dma_start3A_421 = arith.constant 1 : i32
      %dma_start3A_422 = arith.constant 3 : i32
      %dma_start3A_423 = arith.constant 0 : i32
      %dma_start3A_424 = tpu.memref_slice %arg3[%select_n3A, %dma_start3A_421, %dma_start3A_422, %dma_start3A_423, %mul3A_41] : memref<20x8x6x64x1024xf32, #tpu.memory_space<hbm>> -> memref<1x1x2x64x128xf32, #tpu.memory_space<hbm>>
      %dma_start3A_425 = tpu.memref_squeeze %dma_start3A_424 : memref<1x1x2x64x128xf32, #tpu.memory_space<hbm>> -> memref<2x64x128xf32, #tpu.memory_space<hbm>>
      %dma_start3A_426 = arith.constant 0 : i32
      %dma_start3A_427 = arith.constant 0 : i32
      %dma_start3A_428 = arith.constant 0 : i32
      %dma_start3A_429 = tpu.memref_slice %arg6[%arg1, %dma_start3A_426, %dma_start3A_427, %dma_start3A_428] : memref<16x4x64x128xf32, #tpu.memory_space<vmem_shared>> -> memref<1x4x64x128xf32, #tpu.memory_space<vmem_shared>>
      %dma_start3A_430 = tpu.memref_squeeze %dma_start3A_429 : memref<1x4x64x128xf32, #tpu.memory_space<vmem_shared>> -> memref<4x64x128xf32, #tpu.memory_space<vmem_shared>>
      %dma_start3A_431 = arith.constant 2 : i32
      %dma_start3A_432 = arith.constant 0 : i32
      %dma_start3A_433 = arith.constant 0 : i32
      %dma_start3A_434 = tpu.memref_slice %dma_start3A_430[%dma_start3A_431, %dma_start3A_432, %dma_start3A_433] : memref<4x64x128xf32, #tpu.memory_space<vmem_shared>> -> memref<2x64x128xf32, #tpu.memory_space<vmem_shared>>
      tpu.enqueue_dma source(%dma_start3A_434 : memref<2x64x128xf32, #tpu.memory_space<vmem_shared>>) target(%dma_start3A_425 : memref<2x64x128xf32, #tpu.memory_space<hbm>>) target_semaphore(%arg9 : memref<!tpu.dma_semaphore, #tpu.memory_space<semaphore_mem>>)
      %dma_start3A_435 = arith.constant 2 : i32
      %dma_start3A_436 = arith.constant 3 : i32
      %dma_start3A_437 = arith.constant 0 : i32
      %dma_start3A_438 = tpu.memref_slice %arg3[%select_n3A, %dma_start3A_435, %dma_start3A_436, %dma_start3A_437, %mul3A_41] : memref<20x8x6x64x1024xf32, #tpu.memory_space<hbm>> -> memref<1x1x2x64x128xf32, #tpu.memory_space<hbm>>
      %dma_start3A_439 = tpu.memref_squeeze %dma_start3A_438 : memref<1x1x2x64x128xf32, #tpu.memory_space<hbm>> -> memref<2x64x128xf32, #tpu.memory_space<hbm>>
      %dma_start3A_440 = arith.constant 0 : i32
      %dma_start3A_441 = arith.constant 0 : i32
      %dma_start3A_442 = arith.constant 0 : i32
      %dma_start3A_443 = tpu.memref_slice %arg6[%arg1, %dma_start3A_440, %dma_start3A_441, %dma_start3A_442] : memref<16x4x64x128xf32, #tpu.memory_space<vmem_shared>> -> memref<1x4x64x128xf32, #tpu.memory_space<vmem_shared>>
      %dma_start3A_444 = tpu.memref_squeeze %dma_start3A_443 : memref<1x4x64x128xf32, #tpu.memory_space<vmem_shared>> -> memref<4x64x128xf32, #tpu.memory_space<vmem_shared>>
      %dma_start3A_445 = arith.constant 2 : i32
      %dma_start3A_446 = arith.constant 0 : i32
      %dma_start3A_447 = arith.constant 0 : i32
      %dma_start3A_448 = tpu.memref_slice %dma_start3A_444[%dma_start3A_445, %dma_start3A_446, %dma_start3A_447] : memref<4x64x128xf32, #tpu.memory_space<vmem_shared>> -> memref<2x64x128xf32, #tpu.memory_space<vmem_shared>>
      tpu.enqueue_dma source(%dma_start3A_448 : memref<2x64x128xf32, #tpu.memory_space<vmem_shared>>) target(%dma_start3A_439 : memref<2x64x128xf32, #tpu.memory_space<hbm>>) target_semaphore(%arg9 : memref<!tpu.dma_semaphore, #tpu.memory_space<semaphore_mem>>)
      %dma_start3A_449 = arith.constant 3 : i32
      %dma_start3A_450 = arith.constant 3 : i32
      %dma_start3A_451 = arith.constant 0 : i32
      %dma_start3A_452 = tpu.memref_slice %arg3[%select_n3A, %dma_start3A_449, %dma_start3A_450, %dma_start3A_451, %mul3A_41] : memref<20x8x6x64x1024xf32, #tpu.memory_space<hbm>> -> memref<1x1x2x64x128xf32, #tpu.memory_space<hbm>>
      %dma_start3A_453 = tpu.memref_squeeze %dma_start3A_452 : memref<1x1x2x64x128xf32, #tpu.memory_space<hbm>> -> memref<2x64x128xf32, #tpu.memory_space<hbm>>
      %dma_start3A_454 = arith.constant 0 : i32
      %dma_start3A_455 = arith.constant 0 : i32
      %dma_start3A_456 = arith.constant 0 : i32
      %dma_start3A_457 = tpu.memref_slice %arg6[%arg1, %dma_start3A_454, %dma_start3A_455, %dma_start3A_456] : memref<16x4x64x128xf32, #tpu.memory_space<vmem_shared>> -> memref<1x4x64x128xf32, #tpu.memory_space<vmem_shared>>
      %dma_start3A_458 = tpu.memref_squeeze %dma_start3A_457 : memref<1x4x64x128xf32, #tpu.memory_space<vmem_shared>> -> memref<4x64x128xf32, #tpu.memory_space<vmem_shared>>
      %dma_start3A_459 = arith.constant 2 : i32
      %dma_start3A_460 = arith.constant 0 : i32
      %dma_start3A_461 = arith.constant 0 : i32
      %dma_start3A_462 = tpu.memref_slice %dma_start3A_458[%dma_start3A_459, %dma_start3A_460, %dma_start3A_461] : memref<4x64x128xf32, #tpu.memory_space<vmem_shared>> -> memref<2x64x128xf32, #tpu.memory_space<vmem_shared>>
      tpu.enqueue_dma source(%dma_start3A_462 : memref<2x64x128xf32, #tpu.memory_space<vmem_shared>>) target(%dma_start3A_453 : memref<2x64x128xf32, #tpu.memory_space<hbm>>) target_semaphore(%arg9 : memref<!tpu.dma_semaphore, #tpu.memory_space<semaphore_mem>>)
      %dma_start3A_463 = arith.constant 4 : i32
      %dma_start3A_464 = arith.constant 3 : i32
      %dma_start3A_465 = arith.constant 0 : i32
      %dma_start3A_466 = tpu.memref_slice %arg3[%select_n3A, %dma_start3A_463, %dma_start3A_464, %dma_start3A_465, %mul3A_41] : memref<20x8x6x64x1024xf32, #tpu.memory_space<hbm>> -> memref<1x1x2x64x128xf32, #tpu.memory_space<hbm>>
      %dma_start3A_467 = tpu.memref_squeeze %dma_start3A_466 : memref<1x1x2x64x128xf32, #tpu.memory_space<hbm>> -> memref<2x64x128xf32, #tpu.memory_space<hbm>>
      %dma_start3A_468 = arith.constant 0 : i32
      %dma_start3A_469 = arith.constant 0 : i32
      %dma_start3A_470 = arith.constant 0 : i32
      %dma_start3A_471 = tpu.memref_slice %arg6[%arg1, %dma_start3A_468, %dma_start3A_469, %dma_start3A_470] : memref<16x4x64x128xf32, #tpu.memory_space<vmem_shared>> -> memref<1x4x64x128xf32, #tpu.memory_space<vmem_shared>>
      %dma_start3A_472 = tpu.memref_squeeze %dma_start3A_471 : memref<1x4x64x128xf32, #tpu.memory_space<vmem_shared>> -> memref<4x64x128xf32, #tpu.memory_space<vmem_shared>>
      %dma_start3A_473 = arith.constant 2 : i32
      %dma_start3A_474 = arith.constant 0 : i32
      %dma_start3A_475 = arith.constant 0 : i32
      %dma_start3A_476 = tpu.memref_slice %dma_start3A_472[%dma_start3A_473, %dma_start3A_474, %dma_start3A_475] : memref<4x64x128xf32, #tpu.memory_space<vmem_shared>> -> memref<2x64x128xf32, #tpu.memory_space<vmem_shared>>
      tpu.enqueue_dma source(%dma_start3A_476 : memref<2x64x128xf32, #tpu.memory_space<vmem_shared>>) target(%dma_start3A_467 : memref<2x64x128xf32, #tpu.memory_space<hbm>>) target_semaphore(%arg9 : memref<!tpu.dma_semaphore, #tpu.memory_space<semaphore_mem>>)
      %dma_start3A_477 = arith.constant 5 : i32
      %dma_start3A_478 = arith.constant 3 : i32
      %dma_start3A_479 = arith.constant 0 : i32
      %dma_start3A_480 = tpu.memref_slice %arg3[%select_n3A, %dma_start3A_477, %dma_start3A_478, %dma_start3A_479, %mul3A_41] : memref<20x8x6x64x1024xf32, #tpu.memory_space<hbm>> -> memref<1x1x2x64x128xf32, #tpu.memory_space<hbm>>
      %dma_start3A_481 = tpu.memref_squeeze %dma_start3A_480 : memref<1x1x2x64x128xf32, #tpu.memory_space<hbm>> -> memref<2x64x128xf32, #tpu.memory_space<hbm>>
      %dma_start3A_482 = arith.constant 0 : i32
      %dma_start3A_483 = arith.constant 0 : i32
      %dma_start3A_484 = arith.constant 0 : i32
      %dma_start3A_485 = tpu.memref_slice %arg6[%arg1, %dma_start3A_482, %dma_start3A_483, %dma_start3A_484] : memref<16x4x64x128xf32, #tpu.memory_space<vmem_shared>> -> memref<1x4x64x128xf32, #tpu.memory_space<vmem_shared>>
      %dma_start3A_486 = tpu.memref_squeeze %dma_start3A_485 : memref<1x4x64x128xf32, #tpu.memory_space<vmem_shared>> -> memref<4x64x128xf32, #tpu.memory_space<vmem_shared>>
      %dma_start3A_487 = arith.constant 2 : i32
      %dma_start3A_488 = arith.constant 0 : i32
      %dma_start3A_489 = arith.constant 0 : i32
      %dma_start3A_490 = tpu.memref_slice %dma_start3A_486[%dma_start3A_487, %dma_start3A_488, %dma_start3A_489] : memref<4x64x128xf32, #tpu.memory_space<vmem_shared>> -> memref<2x64x128xf32, #tpu.memory_space<vmem_shared>>
      tpu.enqueue_dma source(%dma_start3A_490 : memref<2x64x128xf32, #tpu.memory_space<vmem_shared>>) target(%dma_start3A_481 : memref<2x64x128xf32, #tpu.memory_space<hbm>>) target_semaphore(%arg9 : memref<!tpu.dma_semaphore, #tpu.memory_space<semaphore_mem>>)
      %dma_start3A_491 = arith.constant 6 : i32
      %dma_start3A_492 = arith.constant 3 : i32
      %dma_start3A_493 = arith.constant 0 : i32
      %dma_start3A_494 = tpu.memref_slice %arg3[%select_n3A, %dma_start3A_491, %dma_start3A_492, %dma_start3A_493, %mul3A_41] : memref<20x8x6x64x1024xf32, #tpu.memory_space<hbm>> -> memref<1x1x2x64x128xf32, #tpu.memory_space<hbm>>
      %dma_start3A_495 = tpu.memref_squeeze %dma_start3A_494 : memref<1x1x2x64x128xf32, #tpu.memory_space<hbm>> -> memref<2x64x128xf32, #tpu.memory_space<hbm>>
      %dma_start3A_496 = arith.constant 0 : i32
      %dma_start3A_497 = arith.constant 0 : i32
      %dma_start3A_498 = arith.constant 0 : i32
      %dma_start3A_499 = tpu.memref_slice %arg6[%arg1, %dma_start3A_496, %dma_start3A_497, %dma_start3A_498] : memref<16x4x64x128xf32, #tpu.memory_space<vmem_shared>> -> memref<1x4x64x128xf32, #tpu.memory_space<vmem_shared>>
      %dma_start3A_500 = tpu.memref_squeeze %dma_start3A_499 : memref<1x4x64x128xf32, #tpu.memory_space<vmem_shared>> -> memref<4x64x128xf32, #tpu.memory_space<vmem_shared>>
      %dma_start3A_501 = arith.constant 2 : i32
      %dma_start3A_502 = arith.constant 0 : i32
      %dma_start3A_503 = arith.constant 0 : i32
      %dma_start3A_504 = tpu.memref_slice %dma_start3A_500[%dma_start3A_501, %dma_start3A_502, %dma_start3A_503] : memref<4x64x128xf32, #tpu.memory_space<vmem_shared>> -> memref<2x64x128xf32, #tpu.memory_space<vmem_shared>>
      tpu.enqueue_dma source(%dma_start3A_504 : memref<2x64x128xf32, #tpu.memory_space<vmem_shared>>) target(%dma_start3A_495 : memref<2x64x128xf32, #tpu.memory_space<hbm>>) target_semaphore(%arg9 : memref<!tpu.dma_semaphore, #tpu.memory_space<semaphore_mem>>)
      %dma_start3A_505 = arith.constant 7 : i32
      %dma_start3A_506 = arith.constant 3 : i32
      %dma_start3A_507 = arith.constant 0 : i32
      %dma_start3A_508 = tpu.memref_slice %arg3[%select_n3A, %dma_start3A_505, %dma_start3A_506, %dma_start3A_507, %mul3A_41] : memref<20x8x6x64x1024xf32, #tpu.memory_space<hbm>> -> memref<1x1x2x64x128xf32, #tpu.memory_space<hbm>>
      %dma_start3A_509 = tpu.memref_squeeze %dma_start3A_508 : memref<1x1x2x64x128xf32, #tpu.memory_space<hbm>> -> memref<2x64x128xf32, #tpu.memory_space<hbm>>
      %dma_start3A_510 = arith.constant 0 : i32
      %dma_start3A_511 = arith.constant 0 : i32
      %dma_start3A_512 = arith.constant 0 : i32
      %dma_start3A_513 = tpu.memref_slice %arg6[%arg1, %dma_start3A_510, %dma_start3A_511, %dma_start3A_512] : memref<16x4x64x128xf32, #tpu.memory_space<vmem_shared>> -> memref<1x4x64x128xf32, #tpu.memory_space<vmem_shared>>
      %dma_start3A_514 = tpu.memref_squeeze %dma_start3A_513 : memref<1x4x64x128xf32, #tpu.memory_space<vmem_shared>> -> memref<4x64x128xf32, #tpu.memory_space<vmem_shared>>
      %dma_start3A_515 = arith.constant 2 : i32
      %dma_start3A_516 = arith.constant 0 : i32
      %dma_start3A_517 = arith.constant 0 : i32
      %dma_start3A_518 = tpu.memref_slice %dma_start3A_514[%dma_start3A_515, %dma_start3A_516, %dma_start3A_517] : memref<4x64x128xf32, #tpu.memory_space<vmem_shared>> -> memref<2x64x128xf32, #tpu.memory_space<vmem_shared>>
      tpu.enqueue_dma source(%dma_start3A_518 : memref<2x64x128xf32, #tpu.memory_space<vmem_shared>>) target(%dma_start3A_509 : memref<2x64x128xf32, #tpu.memory_space<hbm>>) target_semaphore(%arg9 : memref<!tpu.dma_semaphore, #tpu.memory_space<semaphore_mem>>)
      %add3A_519 = arith.constant 16 : i32
      %add3A_520 = arith.addi %mul3A_43, %add3A_519 : i32
      %dma_wait3A_521 = arith.constant 0 : i32
      %dma_wait3A_522 = tpu.memref_slice %arg2[%add3A_520, %dma_wait3A_521, %mul3A_41] : memref<400x64x1024xf32, #tpu.memory_space<hbm>> -> memref<4x64x128xf32, #tpu.memory_space<hbm>>
      %dma_wait3A_523 = arith.constant 0 : i32
      %dma_wait3A_524 = tpu.memref_slice %arg2[%add3A_520, %dma_wait3A_523, %mul3A_41] : memref<400x64x1024xf32, #tpu.memory_space<hbm>> -> memref<4x64x128xf32, #tpu.memory_space<hbm>>
      tpu.wait_dma2 semaphore(%arg7 : memref<!tpu.dma_semaphore, #tpu.memory_space<semaphore_mem>>) src(%dma_wait3A_524 : memref<4x64x128xf32, #tpu.memory_space<hbm>>) dst(%arg4 : memref<4x64x128xf32, #tpu.memory_space<vmem>>)
      %dma_start3A_525 = arith.constant 5 : i32
      %dma_start3A_526 = arith.constant 4 : i32
      %dma_start3A_527 = arith.constant 0 : i32
      %dma_start3A_528 = tpu.memref_slice %arg3[%select_n3A, %dma_start3A_526, %dma_start3A_525, %dma_start3A_527, %mul3A_41] : memref<20x8x6x64x1024xf32, #tpu.memory_space<hbm>> -> memref<1x4x1x64x128xf32, #tpu.memory_space<hbm>>
      %dma_start3A_529 = tpu.memref_squeeze %dma_start3A_528 : memref<1x4x1x64x128xf32, #tpu.memory_space<hbm>> -> memref<4x64x128xf32, #tpu.memory_space<hbm>>
      %dma_start3A_530 = arith.constant 4 : i32
      %dma_start3A_531 = arith.constant 0 : i32
      %dma_start3A_532 = tpu.memref_slice %arg3[%select_n3A, %dma_start3A_530, %dma_start3A_525, %dma_start3A_531, %mul3A_41] : memref<20x8x6x64x1024xf32, #tpu.memory_space<hbm>> -> memref<1x4x1x64x128xf32, #tpu.memory_space<hbm>>
      %dma_start3A_533 = tpu.memref_squeeze %dma_start3A_532 : memref<1x4x1x64x128xf32, #tpu.memory_space<hbm>> -> memref<4x64x128xf32, #tpu.memory_space<hbm>>
      tpu.enqueue_dma source(%arg4 : memref<4x64x128xf32, #tpu.memory_space<vmem>>) target(%dma_start3A_533 : memref<4x64x128xf32, #tpu.memory_space<hbm>>) target_semaphore(%arg9 : memref<!tpu.dma_semaphore, #tpu.memory_space<semaphore_mem>>)
      %dma_wait3A_534 = arith.constant 5 : i32
      %dma_wait3A_535 = arith.constant 0 : i32
      %dma_wait3A_536 = arith.constant 0 : i32
      %dma_wait3A_537 = tpu.memref_slice %arg3[%select_n3A, %dma_wait3A_535, %dma_wait3A_534, %dma_wait3A_536, %mul3A_41] : memref<20x8x6x64x1024xf32, #tpu.memory_space<hbm>> -> memref<1x4x1x64x128xf32, #tpu.memory_space<hbm>>
      %dma_wait3A_538 = tpu.memref_squeeze %dma_wait3A_537 : memref<1x4x1x64x128xf32, #tpu.memory_space<hbm>> -> memref<4x64x128xf32, #tpu.memory_space<hbm>>
      %dma_wait3A_539 = arith.constant 0 : i32
      %dma_wait3A_540 = arith.constant 0 : i32
      %dma_wait3A_541 = tpu.memref_slice %arg3[%select_n3A, %dma_wait3A_539, %dma_wait3A_534, %dma_wait3A_540, %mul3A_41] : memref<20x8x6x64x1024xf32, #tpu.memory_space<hbm>> -> memref<1x4x1x64x128xf32, #tpu.memory_space<hbm>>
      %dma_wait3A_542 = tpu.memref_squeeze %dma_wait3A_541 : memref<1x4x1x64x128xf32, #tpu.memory_space<hbm>> -> memref<4x64x128xf32, #tpu.memory_space<hbm>>
      tpu.wait_dma2 semaphore(%arg9 : memref<!tpu.dma_semaphore, #tpu.memory_space<semaphore_mem>>) src(%arg5 : memref<4x64x128xf32, #tpu.memory_space<vmem>>) dst(%dma_wait3A_542 : memref<4x64x128xf32, #tpu.memory_space<hbm>>)
      %dma_wait3A_543 = arith.constant 5 : i32
      %dma_wait3A_544 = arith.constant 4 : i32
      %dma_wait3A_545 = arith.constant 0 : i32
      %dma_wait3A_546 = tpu.memref_slice %arg3[%select_n3A, %dma_wait3A_544, %dma_wait3A_543, %dma_wait3A_545, %mul3A_41] : memref<20x8x6x64x1024xf32, #tpu.memory_space<hbm>> -> memref<1x4x1x64x128xf32, #tpu.memory_space<hbm>>
      %dma_wait3A_547 = tpu.memref_squeeze %dma_wait3A_546 : memref<1x4x1x64x128xf32, #tpu.memory_space<hbm>> -> memref<4x64x128xf32, #tpu.memory_space<hbm>>
      %dma_wait3A_548 = arith.constant 4 : i32
      %dma_wait3A_549 = arith.constant 0 : i32
      %dma_wait3A_550 = tpu.memref_slice %arg3[%select_n3A, %dma_wait3A_548, %dma_wait3A_543, %dma_wait3A_549, %mul3A_41] : memref<20x8x6x64x1024xf32, #tpu.memory_space<hbm>> -> memref<1x4x1x64x128xf32, #tpu.memory_space<hbm>>
      %dma_wait3A_551 = tpu.memref_squeeze %dma_wait3A_550 : memref<1x4x1x64x128xf32, #tpu.memory_space<hbm>> -> memref<4x64x128xf32, #tpu.memory_space<hbm>>
      tpu.wait_dma2 semaphore(%arg9 : memref<!tpu.dma_semaphore, #tpu.memory_space<semaphore_mem>>) src(%arg4 : memref<4x64x128xf32, #tpu.memory_space<vmem>>) dst(%dma_wait3A_551 : memref<4x64x128xf32, #tpu.memory_space<hbm>>)
      %dma_wait3A_552 = arith.constant 0 : i32
      %dma_wait3A_553 = arith.constant 0 : i32
      %dma_wait3A_554 = arith.constant 0 : i32
      %dma_wait3A_555 = tpu.memref_slice %arg3[%select_n3A, %dma_wait3A_552, %dma_wait3A_553, %dma_wait3A_554, %mul3A_41] : memref<20x8x6x64x1024xf32, #tpu.memory_space<hbm>> -> memref<1x1x2x64x128xf32, #tpu.memory_space<hbm>>
      %dma_wait3A_556 = tpu.memref_squeeze %dma_wait3A_555 : memref<1x1x2x64x128xf32, #tpu.memory_space<hbm>> -> memref<2x64x128xf32, #tpu.memory_space<hbm>>
      %dma_wait3A_557 = arith.constant 0 : i32
      %dma_wait3A_558 = arith.constant 0 : i32
      %dma_wait3A_559 = arith.constant 0 : i32
      %dma_wait3A_560 = tpu.memref_slice %arg6[%arg1, %dma_wait3A_557, %dma_wait3A_558, %dma_wait3A_559] : memref<16x4x64x128xf32, #tpu.memory_space<vmem_shared>> -> memref<1x4x64x128xf32, #tpu.memory_space<vmem_shared>>
      %dma_wait3A_561 = tpu.memref_squeeze %dma_wait3A_560 : memref<1x4x64x128xf32, #tpu.memory_space<vmem_shared>> -> memref<4x64x128xf32, #tpu.memory_space<vmem_shared>>
      %dma_wait3A_562 = arith.constant 0 : i32
      %dma_wait3A_563 = arith.constant 0 : i32
      %dma_wait3A_564 = arith.constant 0 : i32
      %dma_wait3A_565 = tpu.memref_slice %dma_wait3A_561[%dma_wait3A_562, %dma_wait3A_563, %dma_wait3A_564] : memref<4x64x128xf32, #tpu.memory_space<vmem_shared>> -> memref<2x64x128xf32, #tpu.memory_space<vmem_shared>>
      tpu.wait_dma2 semaphore(%arg9 : memref<!tpu.dma_semaphore, #tpu.memory_space<semaphore_mem>>) src(%dma_wait3A_565 : memref<2x64x128xf32, #tpu.memory_space<vmem_shared>>) dst(%dma_wait3A_556 : memref<2x64x128xf32, #tpu.memory_space<hbm>>)
      %dma_wait3A_566 = arith.constant 1 : i32
      %dma_wait3A_567 = arith.constant 0 : i32
      %dma_wait3A_568 = arith.constant 0 : i32
      %dma_wait3A_569 = tpu.memref_slice %arg3[%select_n3A, %dma_wait3A_566, %dma_wait3A_567, %dma_wait3A_568, %mul3A_41] : memref<20x8x6x64x1024xf32, #tpu.memory_space<hbm>> -> memref<1x1x2x64x128xf32, #tpu.memory_space<hbm>>
      %dma_wait3A_570 = tpu.memref_squeeze %dma_wait3A_569 : memref<1x1x2x64x128xf32, #tpu.memory_space<hbm>> -> memref<2x64x128xf32, #tpu.memory_space<hbm>>
      %dma_wait3A_571 = arith.constant 0 : i32
      %dma_wait3A_572 = arith.constant 0 : i32
      %dma_wait3A_573 = arith.constant 0 : i32
      %dma_wait3A_574 = tpu.memref_slice %arg6[%arg1, %dma_wait3A_571, %dma_wait3A_572, %dma_wait3A_573] : memref<16x4x64x128xf32, #tpu.memory_space<vmem_shared>> -> memref<1x4x64x128xf32, #tpu.memory_space<vmem_shared>>
      %dma_wait3A_575 = tpu.memref_squeeze %dma_wait3A_574 : memref<1x4x64x128xf32, #tpu.memory_space<vmem_shared>> -> memref<4x64x128xf32, #tpu.memory_space<vmem_shared>>
      %dma_wait3A_576 = arith.constant 0 : i32
      %dma_wait3A_577 = arith.constant 0 : i32
      %dma_wait3A_578 = arith.constant 0 : i32
      %dma_wait3A_579 = tpu.memref_slice %dma_wait3A_575[%dma_wait3A_576, %dma_wait3A_577, %dma_wait3A_578] : memref<4x64x128xf32, #tpu.memory_space<vmem_shared>> -> memref<2x64x128xf32, #tpu.memory_space<vmem_shared>>
      tpu.wait_dma2 semaphore(%arg9 : memref<!tpu.dma_semaphore, #tpu.memory_space<semaphore_mem>>) src(%dma_wait3A_579 : memref<2x64x128xf32, #tpu.memory_space<vmem_shared>>) dst(%dma_wait3A_570 : memref<2x64x128xf32, #tpu.memory_space<hbm>>)
      %dma_wait3A_580 = arith.constant 2 : i32
      %dma_wait3A_581 = arith.constant 0 : i32
      %dma_wait3A_582 = arith.constant 0 : i32
      %dma_wait3A_583 = tpu.memref_slice %arg3[%select_n3A, %dma_wait3A_580, %dma_wait3A_581, %dma_wait3A_582, %mul3A_41] : memref<20x8x6x64x1024xf32, #tpu.memory_space<hbm>> -> memref<1x1x2x64x128xf32, #tpu.memory_space<hbm>>
      %dma_wait3A_584 = tpu.memref_squeeze %dma_wait3A_583 : memref<1x1x2x64x128xf32, #tpu.memory_space<hbm>> -> memref<2x64x128xf32, #tpu.memory_space<hbm>>
      %dma_wait3A_585 = arith.constant 0 : i32
      %dma_wait3A_586 = arith.constant 0 : i32
      %dma_wait3A_587 = arith.constant 0 : i32
      %dma_wait3A_588 = tpu.memref_slice %arg6[%arg1, %dma_wait3A_585, %dma_wait3A_586, %dma_wait3A_587] : memref<16x4x64x128xf32, #tpu.memory_space<vmem_shared>> -> memref<1x4x64x128xf32, #tpu.memory_space<vmem_shared>>
      %dma_wait3A_589 = tpu.memref_squeeze %dma_wait3A_588 : memref<1x4x64x128xf32, #tpu.memory_space<vmem_shared>> -> memref<4x64x128xf32, #tpu.memory_space<vmem_shared>>
      %dma_wait3A_590 = arith.constant 0 : i32
      %dma_wait3A_591 = arith.constant 0 : i32
      %dma_wait3A_592 = arith.constant 0 : i32
      %dma_wait3A_593 = tpu.memref_slice %dma_wait3A_589[%dma_wait3A_590, %dma_wait3A_591, %dma_wait3A_592] : memref<4x64x128xf32, #tpu.memory_space<vmem_shared>> -> memref<2x64x128xf32, #tpu.memory_space<vmem_shared>>
      tpu.wait_dma2 semaphore(%arg9 : memref<!tpu.dma_semaphore, #tpu.memory_space<semaphore_mem>>) src(%dma_wait3A_593 : memref<2x64x128xf32, #tpu.memory_space<vmem_shared>>) dst(%dma_wait3A_584 : memref<2x64x128xf32, #tpu.memory_space<hbm>>)
      %dma_wait3A_594 = arith.constant 3 : i32
      %dma_wait3A_595 = arith.constant 0 : i32
      %dma_wait3A_596 = arith.constant 0 : i32
      %dma_wait3A_597 = tpu.memref_slice %arg3[%select_n3A, %dma_wait3A_594, %dma_wait3A_595, %dma_wait3A_596, %mul3A_41] : memref<20x8x6x64x1024xf32, #tpu.memory_space<hbm>> -> memref<1x1x2x64x128xf32, #tpu.memory_space<hbm>>
      %dma_wait3A_598 = tpu.memref_squeeze %dma_wait3A_597 : memref<1x1x2x64x128xf32, #tpu.memory_space<hbm>> -> memref<2x64x128xf32, #tpu.memory_space<hbm>>
      %dma_wait3A_599 = arith.constant 0 : i32
      %dma_wait3A_600 = arith.constant 0 : i32
      %dma_wait3A_601 = arith.constant 0 : i32
      %dma_wait3A_602 = tpu.memref_slice %arg6[%arg1, %dma_wait3A_599, %dma_wait3A_600, %dma_wait3A_601] : memref<16x4x64x128xf32, #tpu.memory_space<vmem_shared>> -> memref<1x4x64x128xf32, #tpu.memory_space<vmem_shared>>
      %dma_wait3A_603 = tpu.memref_squeeze %dma_wait3A_602 : memref<1x4x64x128xf32, #tpu.memory_space<vmem_shared>> -> memref<4x64x128xf32, #tpu.memory_space<vmem_shared>>
      %dma_wait3A_604 = arith.constant 0 : i32
      %dma_wait3A_605 = arith.constant 0 : i32
      %dma_wait3A_606 = arith.constant 0 : i32
      %dma_wait3A_607 = tpu.memref_slice %dma_wait3A_603[%dma_wait3A_604, %dma_wait3A_605, %dma_wait3A_606] : memref<4x64x128xf32, #tpu.memory_space<vmem_shared>> -> memref<2x64x128xf32, #tpu.memory_space<vmem_shared>>
      tpu.wait_dma2 semaphore(%arg9 : memref<!tpu.dma_semaphore, #tpu.memory_space<semaphore_mem>>) src(%dma_wait3A_607 : memref<2x64x128xf32, #tpu.memory_space<vmem_shared>>) dst(%dma_wait3A_598 : memref<2x64x128xf32, #tpu.memory_space<hbm>>)
      %dma_wait3A_608 = arith.constant 4 : i32
      %dma_wait3A_609 = arith.constant 0 : i32
      %dma_wait3A_610 = arith.constant 0 : i32
      %dma_wait3A_611 = tpu.memref_slice %arg3[%select_n3A, %dma_wait3A_608, %dma_wait3A_609, %dma_wait3A_610, %mul3A_41] : memref<20x8x6x64x1024xf32, #tpu.memory_space<hbm>> -> memref<1x1x2x64x128xf32, #tpu.memory_space<hbm>>
      %dma_wait3A_612 = tpu.memref_squeeze %dma_wait3A_611 : memref<1x1x2x64x128xf32, #tpu.memory_space<hbm>> -> memref<2x64x128xf32, #tpu.memory_space<hbm>>
      %dma_wait3A_613 = arith.constant 0 : i32
      %dma_wait3A_614 = arith.constant 0 : i32
      %dma_wait3A_615 = arith.constant 0 : i32
      %dma_wait3A_616 = tpu.memref_slice %arg6[%arg1, %dma_wait3A_613, %dma_wait3A_614, %dma_wait3A_615] : memref<16x4x64x128xf32, #tpu.memory_space<vmem_shared>> -> memref<1x4x64x128xf32, #tpu.memory_space<vmem_shared>>
      %dma_wait3A_617 = tpu.memref_squeeze %dma_wait3A_616 : memref<1x4x64x128xf32, #tpu.memory_space<vmem_shared>> -> memref<4x64x128xf32, #tpu.memory_space<vmem_shared>>
      %dma_wait3A_618 = arith.constant 0 : i32
      %dma_wait3A_619 = arith.constant 0 : i32
      %dma_wait3A_620 = arith.constant 0 : i32
      %dma_wait3A_621 = tpu.memref_slice %dma_wait3A_617[%dma_wait3A_618, %dma_wait3A_619, %dma_wait3A_620] : memref<4x64x128xf32, #tpu.memory_space<vmem_shared>> -> memref<2x64x128xf32, #tpu.memory_space<vmem_shared>>
      tpu.wait_dma2 semaphore(%arg9 : memref<!tpu.dma_semaphore, #tpu.memory_space<semaphore_mem>>) src(%dma_wait3A_621 : memref<2x64x128xf32, #tpu.memory_space<vmem_shared>>) dst(%dma_wait3A_612 : memref<2x64x128xf32, #tpu.memory_space<hbm>>)
      %dma_wait3A_622 = arith.constant 5 : i32
      %dma_wait3A_623 = arith.constant 0 : i32
      %dma_wait3A_624 = arith.constant 0 : i32
      %dma_wait3A_625 = tpu.memref_slice %arg3[%select_n3A, %dma_wait3A_622, %dma_wait3A_623, %dma_wait3A_624, %mul3A_41] : memref<20x8x6x64x1024xf32, #tpu.memory_space<hbm>> -> memref<1x1x2x64x128xf32, #tpu.memory_space<hbm>>
      %dma_wait3A_626 = tpu.memref_squeeze %dma_wait3A_625 : memref<1x1x2x64x128xf32, #tpu.memory_space<hbm>> -> memref<2x64x128xf32, #tpu.memory_space<hbm>>
      %dma_wait3A_627 = arith.constant 0 : i32
      %dma_wait3A_628 = arith.constant 0 : i32
      %dma_wait3A_629 = arith.constant 0 : i32
      %dma_wait3A_630 = tpu.memref_slice %arg6[%arg1, %dma_wait3A_627, %dma_wait3A_628, %dma_wait3A_629] : memref<16x4x64x128xf32, #tpu.memory_space<vmem_shared>> -> memref<1x4x64x128xf32, #tpu.memory_space<vmem_shared>>
      %dma_wait3A_631 = tpu.memref_squeeze %dma_wait3A_630 : memref<1x4x64x128xf32, #tpu.memory_space<vmem_shared>> -> memref<4x64x128xf32, #tpu.memory_space<vmem_shared>>
      %dma_wait3A_632 = arith.constant 0 : i32
      %dma_wait3A_633 = arith.constant 0 : i32
      %dma_wait3A_634 = arith.constant 0 : i32
      %dma_wait3A_635 = tpu.memref_slice %dma_wait3A_631[%dma_wait3A_632, %dma_wait3A_633, %dma_wait3A_634] : memref<4x64x128xf32, #tpu.memory_space<vmem_shared>> -> memref<2x64x128xf32, #tpu.memory_space<vmem_shared>>
      tpu.wait_dma2 semaphore(%arg9 : memref<!tpu.dma_semaphore, #tpu.memory_space<semaphore_mem>>) src(%dma_wait3A_635 : memref<2x64x128xf32, #tpu.memory_space<vmem_shared>>) dst(%dma_wait3A_626 : memref<2x64x128xf32, #tpu.memory_space<hbm>>)
      %dma_wait3A_636 = arith.constant 6 : i32
      %dma_wait3A_637 = arith.constant 0 : i32
      %dma_wait3A_638 = arith.constant 0 : i32
      %dma_wait3A_639 = tpu.memref_slice %arg3[%select_n3A, %dma_wait3A_636, %dma_wait3A_637, %dma_wait3A_638, %mul3A_41] : memref<20x8x6x64x1024xf32, #tpu.memory_space<hbm>> -> memref<1x1x2x64x128xf32, #tpu.memory_space<hbm>>
      %dma_wait3A_640 = tpu.memref_squeeze %dma_wait3A_639 : memref<1x1x2x64x128xf32, #tpu.memory_space<hbm>> -> memref<2x64x128xf32, #tpu.memory_space<hbm>>
      %dma_wait3A_641 = arith.constant 0 : i32
      %dma_wait3A_642 = arith.constant 0 : i32
      %dma_wait3A_643 = arith.constant 0 : i32
      %dma_wait3A_644 = tpu.memref_slice %arg6[%arg1, %dma_wait3A_641, %dma_wait3A_642, %dma_wait3A_643] : memref<16x4x64x128xf32, #tpu.memory_space<vmem_shared>> -> memref<1x4x64x128xf32, #tpu.memory_space<vmem_shared>>
      %dma_wait3A_645 = tpu.memref_squeeze %dma_wait3A_644 : memref<1x4x64x128xf32, #tpu.memory_space<vmem_shared>> -> memref<4x64x128xf32, #tpu.memory_space<vmem_shared>>
      %dma_wait3A_646 = arith.constant 0 : i32
      %dma_wait3A_647 = arith.constant 0 : i32
      %dma_wait3A_648 = arith.constant 0 : i32
      %dma_wait3A_649 = tpu.memref_slice %dma_wait3A_645[%dma_wait3A_646, %dma_wait3A_647, %dma_wait3A_648] : memref<4x64x128xf32, #tpu.memory_space<vmem_shared>> -> memref<2x64x128xf32, #tpu.memory_space<vmem_shared>>
      tpu.wait_dma2 semaphore(%arg9 : memref<!tpu.dma_semaphore, #tpu.memory_space<semaphore_mem>>) src(%dma_wait3A_649 : memref<2x64x128xf32, #tpu.memory_space<vmem_shared>>) dst(%dma_wait3A_640 : memref<2x64x128xf32, #tpu.memory_space<hbm>>)
      %dma_wait3A_650 = arith.constant 7 : i32
      %dma_wait3A_651 = arith.constant 0 : i32
      %dma_wait3A_652 = arith.constant 0 : i32
      %dma_wait3A_653 = tpu.memref_slice %arg3[%select_n3A, %dma_wait3A_650, %dma_wait3A_651, %dma_wait3A_652, %mul3A_41] : memref<20x8x6x64x1024xf32, #tpu.memory_space<hbm>> -> memref<1x1x2x64x128xf32, #tpu.memory_space<hbm>>
      %dma_wait3A_654 = tpu.memref_squeeze %dma_wait3A_653 : memref<1x1x2x64x128xf32, #tpu.memory_space<hbm>> -> memref<2x64x128xf32, #tpu.memory_space<hbm>>
      %dma_wait3A_655 = arith.constant 0 : i32
      %dma_wait3A_656 = arith.constant 0 : i32
      %dma_wait3A_657 = arith.constant 0 : i32
      %dma_wait3A_658 = tpu.memref_slice %arg6[%arg1, %dma_wait3A_655, %dma_wait3A_656, %dma_wait3A_657] : memref<16x4x64x128xf32, #tpu.memory_space<vmem_shared>> -> memref<1x4x64x128xf32, #tpu.memory_space<vmem_shared>>
      %dma_wait3A_659 = tpu.memref_squeeze %dma_wait3A_658 : memref<1x4x64x128xf32, #tpu.memory_space<vmem_shared>> -> memref<4x64x128xf32, #tpu.memory_space<vmem_shared>>
      %dma_wait3A_660 = arith.constant 0 : i32
      %dma_wait3A_661 = arith.constant 0 : i32
      %dma_wait3A_662 = arith.constant 0 : i32
      %dma_wait3A_663 = tpu.memref_slice %dma_wait3A_659[%dma_wait3A_660, %dma_wait3A_661, %dma_wait3A_662] : memref<4x64x128xf32, #tpu.memory_space<vmem_shared>> -> memref<2x64x128xf32, #tpu.memory_space<vmem_shared>>
      tpu.wait_dma2 semaphore(%arg9 : memref<!tpu.dma_semaphore, #tpu.memory_space<semaphore_mem>>) src(%dma_wait3A_663 : memref<2x64x128xf32, #tpu.memory_space<vmem_shared>>) dst(%dma_wait3A_654 : memref<2x64x128xf32, #tpu.memory_space<hbm>>)
      %dma_wait3A_664 = arith.constant 0 : i32
      %dma_wait3A_665 = arith.constant 3 : i32
      %dma_wait3A_666 = arith.constant 0 : i32
      %dma_wait3A_667 = tpu.memref_slice %arg3[%select_n3A, %dma_wait3A_664, %dma_wait3A_665, %dma_wait3A_666, %mul3A_41] : memref<20x8x6x64x1024xf32, #tpu.memory_space<hbm>> -> memref<1x1x2x64x128xf32, #tpu.memory_space<hbm>>
      %dma_wait3A_668 = tpu.memref_squeeze %dma_wait3A_667 : memref<1x1x2x64x128xf32, #tpu.memory_space<hbm>> -> memref<2x64x128xf32, #tpu.memory_space<hbm>>
      %dma_wait3A_669 = arith.constant 0 : i32
      %dma_wait3A_670 = arith.constant 0 : i32
      %dma_wait3A_671 = arith.constant 0 : i32
      %dma_wait3A_672 = tpu.memref_slice %arg6[%arg1, %dma_wait3A_669, %dma_wait3A_670, %dma_wait3A_671] : memref<16x4x64x128xf32, #tpu.memory_space<vmem_shared>> -> memref<1x4x64x128xf32, #tpu.memory_space<vmem_shared>>
      %dma_wait3A_673 = tpu.memref_squeeze %dma_wait3A_672 : memref<1x4x64x128xf32, #tpu.memory_space<vmem_shared>> -> memref<4x64x128xf32, #tpu.memory_space<vmem_shared>>
      %dma_wait3A_674 = arith.constant 2 : i32
      %dma_wait3A_675 = arith.constant 0 : i32
      %dma_wait3A_676 = arith.constant 0 : i32
      %dma_wait3A_677 = tpu.memref_slice %dma_wait3A_673[%dma_wait3A_674, %dma_wait3A_675, %dma_wait3A_676] : memref<4x64x128xf32, #tpu.memory_space<vmem_shared>> -> memref<2x64x128xf32, #tpu.memory_space<vmem_shared>>
      tpu.wait_dma2 semaphore(%arg9 : memref<!tpu.dma_semaphore, #tpu.memory_space<semaphore_mem>>) src(%dma_wait3A_677 : memref<2x64x128xf32, #tpu.memory_space<vmem_shared>>) dst(%dma_wait3A_668 : memref<2x64x128xf32, #tpu.memory_space<hbm>>)
      %dma_wait3A_678 = arith.constant 1 : i32
      %dma_wait3A_679 = arith.constant 3 : i32
      %dma_wait3A_680 = arith.constant 0 : i32
      %dma_wait3A_681 = tpu.memref_slice %arg3[%select_n3A, %dma_wait3A_678, %dma_wait3A_679, %dma_wait3A_680, %mul3A_41] : memref<20x8x6x64x1024xf32, #tpu.memory_space<hbm>> -> memref<1x1x2x64x128xf32, #tpu.memory_space<hbm>>
      %dma_wait3A_682 = tpu.memref_squeeze %dma_wait3A_681 : memref<1x1x2x64x128xf32, #tpu.memory_space<hbm>> -> memref<2x64x128xf32, #tpu.memory_space<hbm>>
      %dma_wait3A_683 = arith.constant 0 : i32
      %dma_wait3A_684 = arith.constant 0 : i32
      %dma_wait3A_685 = arith.constant 0 : i32
      %dma_wait3A_686 = tpu.memref_slice %arg6[%arg1, %dma_wait3A_683, %dma_wait3A_684, %dma_wait3A_685] : memref<16x4x64x128xf32, #tpu.memory_space<vmem_shared>> -> memref<1x4x64x128xf32, #tpu.memory_space<vmem_shared>>
      %dma_wait3A_687 = tpu.memref_squeeze %dma_wait3A_686 : memref<1x4x64x128xf32, #tpu.memory_space<vmem_shared>> -> memref<4x64x128xf32, #tpu.memory_space<vmem_shared>>
      %dma_wait3A_688 = arith.constant 2 : i32
      %dma_wait3A_689 = arith.constant 0 : i32
      %dma_wait3A_690 = arith.constant 0 : i32
      %dma_wait3A_691 = tpu.memref_slice %dma_wait3A_687[%dma_wait3A_688, %dma_wait3A_689, %dma_wait3A_690] : memref<4x64x128xf32, #tpu.memory_space<vmem_shared>> -> memref<2x64x128xf32, #tpu.memory_space<vmem_shared>>
      tpu.wait_dma2 semaphore(%arg9 : memref<!tpu.dma_semaphore, #tpu.memory_space<semaphore_mem>>) src(%dma_wait3A_691 : memref<2x64x128xf32, #tpu.memory_space<vmem_shared>>) dst(%dma_wait3A_682 : memref<2x64x128xf32, #tpu.memory_space<hbm>>)
      %dma_wait3A_692 = arith.constant 2 : i32
      %dma_wait3A_693 = arith.constant 3 : i32
      %dma_wait3A_694 = arith.constant 0 : i32
      %dma_wait3A_695 = tpu.memref_slice %arg3[%select_n3A, %dma_wait3A_692, %dma_wait3A_693, %dma_wait3A_694, %mul3A_41] : memref<20x8x6x64x1024xf32, #tpu.memory_space<hbm>> -> memref<1x1x2x64x128xf32, #tpu.memory_space<hbm>>
      %dma_wait3A_696 = tpu.memref_squeeze %dma_wait3A_695 : memref<1x1x2x64x128xf32, #tpu.memory_space<hbm>> -> memref<2x64x128xf32, #tpu.memory_space<hbm>>
      %dma_wait3A_697 = arith.constant 0 : i32
      %dma_wait3A_698 = arith.constant 0 : i32
      %dma_wait3A_699 = arith.constant 0 : i32
      %dma_wait3A_700 = tpu.memref_slice %arg6[%arg1, %dma_wait3A_697, %dma_wait3A_698, %dma_wait3A_699] : memref<16x4x64x128xf32, #tpu.memory_space<vmem_shared>> -> memref<1x4x64x128xf32, #tpu.memory_space<vmem_shared>>
      %dma_wait3A_701 = tpu.memref_squeeze %dma_wait3A_700 : memref<1x4x64x128xf32, #tpu.memory_space<vmem_shared>> -> memref<4x64x128xf32, #tpu.memory_space<vmem_shared>>
      %dma_wait3A_702 = arith.constant 2 : i32
      %dma_wait3A_703 = arith.constant 0 : i32
      %dma_wait3A_704 = arith.constant 0 : i32
      %dma_wait3A_705 = tpu.memref_slice %dma_wait3A_701[%dma_wait3A_702, %dma_wait3A_703, %dma_wait3A_704] : memref<4x64x128xf32, #tpu.memory_space<vmem_shared>> -> memref<2x64x128xf32, #tpu.memory_space<vmem_shared>>
      tpu.wait_dma2 semaphore(%arg9 : memref<!tpu.dma_semaphore, #tpu.memory_space<semaphore_mem>>) src(%dma_wait3A_705 : memref<2x64x128xf32, #tpu.memory_space<vmem_shared>>) dst(%dma_wait3A_696 : memref<2x64x128xf32, #tpu.memory_space<hbm>>)
      %dma_wait3A_706 = arith.constant 3 : i32
      %dma_wait3A_707 = arith.constant 3 : i32
      %dma_wait3A_708 = arith.constant 0 : i32
      %dma_wait3A_709 = tpu.memref_slice %arg3[%select_n3A, %dma_wait3A_706, %dma_wait3A_707, %dma_wait3A_708, %mul3A_41] : memref<20x8x6x64x1024xf32, #tpu.memory_space<hbm>> -> memref<1x1x2x64x128xf32, #tpu.memory_space<hbm>>
      %dma_wait3A_710 = tpu.memref_squeeze %dma_wait3A_709 : memref<1x1x2x64x128xf32, #tpu.memory_space<hbm>> -> memref<2x64x128xf32, #tpu.memory_space<hbm>>
      %dma_wait3A_711 = arith.constant 0 : i32
      %dma_wait3A_712 = arith.constant 0 : i32
      %dma_wait3A_713 = arith.constant 0 : i32
      %dma_wait3A_714 = tpu.memref_slice %arg6[%arg1, %dma_wait3A_711, %dma_wait3A_712, %dma_wait3A_713] : memref<16x4x64x128xf32, #tpu.memory_space<vmem_shared>> -> memref<1x4x64x128xf32, #tpu.memory_space<vmem_shared>>
      %dma_wait3A_715 = tpu.memref_squeeze %dma_wait3A_714 : memref<1x4x64x128xf32, #tpu.memory_space<vmem_shared>> -> memref<4x64x128xf32, #tpu.memory_space<vmem_shared>>
      %dma_wait3A_716 = arith.constant 2 : i32
      %dma_wait3A_717 = arith.constant 0 : i32
      %dma_wait3A_718 = arith.constant 0 : i32
      %dma_wait3A_719 = tpu.memref_slice %dma_wait3A_715[%dma_wait3A_716, %dma_wait3A_717, %dma_wait3A_718] : memref<4x64x128xf32, #tpu.memory_space<vmem_shared>> -> memref<2x64x128xf32, #tpu.memory_space<vmem_shared>>
      tpu.wait_dma2 semaphore(%arg9 : memref<!tpu.dma_semaphore, #tpu.memory_space<semaphore_mem>>) src(%dma_wait3A_719 : memref<2x64x128xf32, #tpu.memory_space<vmem_shared>>) dst(%dma_wait3A_710 : memref<2x64x128xf32, #tpu.memory_space<hbm>>)
      %dma_wait3A_720 = arith.constant 4 : i32
      %dma_wait3A_721 = arith.constant 3 : i32
      %dma_wait3A_722 = arith.constant 0 : i32
      %dma_wait3A_723 = tpu.memref_slice %arg3[%select_n3A, %dma_wait3A_720, %dma_wait3A_721, %dma_wait3A_722, %mul3A_41] : memref<20x8x6x64x1024xf32, #tpu.memory_space<hbm>> -> memref<1x1x2x64x128xf32, #tpu.memory_space<hbm>>
      %dma_wait3A_724 = tpu.memref_squeeze %dma_wait3A_723 : memref<1x1x2x64x128xf32, #tpu.memory_space<hbm>> -> memref<2x64x128xf32, #tpu.memory_space<hbm>>
      %dma_wait3A_725 = arith.constant 0 : i32
      %dma_wait3A_726 = arith.constant 0 : i32
      %dma_wait3A_727 = arith.constant 0 : i32
      %dma_wait3A_728 = tpu.memref_slice %arg6[%arg1, %dma_wait3A_725, %dma_wait3A_726, %dma_wait3A_727] : memref<16x4x64x128xf32, #tpu.memory_space<vmem_shared>> -> memref<1x4x64x128xf32, #tpu.memory_space<vmem_shared>>
      %dma_wait3A_729 = tpu.memref_squeeze %dma_wait3A_728 : memref<1x4x64x128xf32, #tpu.memory_space<vmem_shared>> -> memref<4x64x128xf32, #tpu.memory_space<vmem_shared>>
      %dma_wait3A_730 = arith.constant 2 : i32
      %dma_wait3A_731 = arith.constant 0 : i32
      %dma_wait3A_732 = arith.constant 0 : i32
      %dma_wait3A_733 = tpu.memref_slice %dma_wait3A_729[%dma_wait3A_730, %dma_wait3A_731, %dma_wait3A_732] : memref<4x64x128xf32, #tpu.memory_space<vmem_shared>> -> memref<2x64x128xf32, #tpu.memory_space<vmem_shared>>
      tpu.wait_dma2 semaphore(%arg9 : memref<!tpu.dma_semaphore, #tpu.memory_space<semaphore_mem>>) src(%dma_wait3A_733 : memref<2x64x128xf32, #tpu.memory_space<vmem_shared>>) dst(%dma_wait3A_724 : memref<2x64x128xf32, #tpu.memory_space<hbm>>)
      %dma_wait3A_734 = arith.constant 5 : i32
      %dma_wait3A_735 = arith.constant 3 : i32
      %dma_wait3A_736 = arith.constant 0 : i32
      %dma_wait3A_737 = tpu.memref_slice %arg3[%select_n3A, %dma_wait3A_734, %dma_wait3A_735, %dma_wait3A_736, %mul3A_41] : memref<20x8x6x64x1024xf32, #tpu.memory_space<hbm>> -> memref<1x1x2x64x128xf32, #tpu.memory_space<hbm>>
      %dma_wait3A_738 = tpu.memref_squeeze %dma_wait3A_737 : memref<1x1x2x64x128xf32, #tpu.memory_space<hbm>> -> memref<2x64x128xf32, #tpu.memory_space<hbm>>
      %dma_wait3A_739 = arith.constant 0 : i32
      %dma_wait3A_740 = arith.constant 0 : i32
      %dma_wait3A_741 = arith.constant 0 : i32
      %dma_wait3A_742 = tpu.memref_slice %arg6[%arg1, %dma_wait3A_739, %dma_wait3A_740, %dma_wait3A_741] : memref<16x4x64x128xf32, #tpu.memory_space<vmem_shared>> -> memref<1x4x64x128xf32, #tpu.memory_space<vmem_shared>>
      %dma_wait3A_743 = tpu.memref_squeeze %dma_wait3A_742 : memref<1x4x64x128xf32, #tpu.memory_space<vmem_shared>> -> memref<4x64x128xf32, #tpu.memory_space<vmem_shared>>
      %dma_wait3A_744 = arith.constant 2 : i32
      %dma_wait3A_745 = arith.constant 0 : i32
      %dma_wait3A_746 = arith.constant 0 : i32
      %dma_wait3A_747 = tpu.memref_slice %dma_wait3A_743[%dma_wait3A_744, %dma_wait3A_745, %dma_wait3A_746] : memref<4x64x128xf32, #tpu.memory_space<vmem_shared>> -> memref<2x64x128xf32, #tpu.memory_space<vmem_shared>>
      tpu.wait_dma2 semaphore(%arg9 : memref<!tpu.dma_semaphore, #tpu.memory_space<semaphore_mem>>) src(%dma_wait3A_747 : memref<2x64x128xf32, #tpu.memory_space<vmem_shared>>) dst(%dma_wait3A_738 : memref<2x64x128xf32, #tpu.memory_space<hbm>>)
      %dma_wait3A_748 = arith.constant 6 : i32
      %dma_wait3A_749 = arith.constant 3 : i32
      %dma_wait3A_750 = arith.constant 0 : i32
      %dma_wait3A_751 = tpu.memref_slice %arg3[%select_n3A, %dma_wait3A_748, %dma_wait3A_749, %dma_wait3A_750, %mul3A_41] : memref<20x8x6x64x1024xf32, #tpu.memory_space<hbm>> -> memref<1x1x2x64x128xf32, #tpu.memory_space<hbm>>
      %dma_wait3A_752 = tpu.memref_squeeze %dma_wait3A_751 : memref<1x1x2x64x128xf32, #tpu.memory_space<hbm>> -> memref<2x64x128xf32, #tpu.memory_space<hbm>>
      %dma_wait3A_753 = arith.constant 0 : i32
      %dma_wait3A_754 = arith.constant 0 : i32
      %dma_wait3A_755 = arith.constant 0 : i32
      %dma_wait3A_756 = tpu.memref_slice %arg6[%arg1, %dma_wait3A_753, %dma_wait3A_754, %dma_wait3A_755] : memref<16x4x64x128xf32, #tpu.memory_space<vmem_shared>> -> memref<1x4x64x128xf32, #tpu.memory_space<vmem_shared>>
      %dma_wait3A_757 = tpu.memref_squeeze %dma_wait3A_756 : memref<1x4x64x128xf32, #tpu.memory_space<vmem_shared>> -> memref<4x64x128xf32, #tpu.memory_space<vmem_shared>>
      %dma_wait3A_758 = arith.constant 2 : i32
      %dma_wait3A_759 = arith.constant 0 : i32
      %dma_wait3A_760 = arith.constant 0 : i32
      %dma_wait3A_761 = tpu.memref_slice %dma_wait3A_757[%dma_wait3A_758, %dma_wait3A_759, %dma_wait3A_760] : memref<4x64x128xf32, #tpu.memory_space<vmem_shared>> -> memref<2x64x128xf32, #tpu.memory_space<vmem_shared>>
      tpu.wait_dma2 semaphore(%arg9 : memref<!tpu.dma_semaphore, #tpu.memory_space<semaphore_mem>>) src(%dma_wait3A_761 : memref<2x64x128xf32, #tpu.memory_space<vmem_shared>>) dst(%dma_wait3A_752 : memref<2x64x128xf32, #tpu.memory_space<hbm>>)
      %dma_wait3A_762 = arith.constant 7 : i32
      %dma_wait3A_763 = arith.constant 3 : i32
      %dma_wait3A_764 = arith.constant 0 : i32
      %dma_wait3A_765 = tpu.memref_slice %arg3[%select_n3A, %dma_wait3A_762, %dma_wait3A_763, %dma_wait3A_764, %mul3A_41] : memref<20x8x6x64x1024xf32, #tpu.memory_space<hbm>> -> memref<1x1x2x64x128xf32, #tpu.memory_space<hbm>>
      %dma_wait3A_766 = tpu.memref_squeeze %dma_wait3A_765 : memref<1x1x2x64x128xf32, #tpu.memory_space<hbm>> -> memref<2x64x128xf32, #tpu.memory_space<hbm>>
      %dma_wait3A_767 = arith.constant 0 : i32
      %dma_wait3A_768 = arith.constant 0 : i32
      %dma_wait3A_769 = arith.constant 0 : i32
      %dma_wait3A_770 = tpu.memref_slice %arg6[%arg1, %dma_wait3A_767, %dma_wait3A_768, %dma_wait3A_769] : memref<16x4x64x128xf32, #tpu.memory_space<vmem_shared>> -> memref<1x4x64x128xf32, #tpu.memory_space<vmem_shared>>
      %dma_wait3A_771 = tpu.memref_squeeze %dma_wait3A_770 : memref<1x4x64x128xf32, #tpu.memory_space<vmem_shared>> -> memref<4x64x128xf32, #tpu.memory_space<vmem_shared>>
      %dma_wait3A_772 = arith.constant 2 : i32
      %dma_wait3A_773 = arith.constant 0 : i32
      %dma_wait3A_774 = arith.constant 0 : i32
      %dma_wait3A_775 = tpu.memref_slice %dma_wait3A_771[%dma_wait3A_772, %dma_wait3A_773, %dma_wait3A_774] : memref<4x64x128xf32, #tpu.memory_space<vmem_shared>> -> memref<2x64x128xf32, #tpu.memory_space<vmem_shared>>
      tpu.wait_dma2 semaphore(%arg9 : memref<!tpu.dma_semaphore, #tpu.memory_space<semaphore_mem>>) src(%dma_wait3A_775 : memref<2x64x128xf32, #tpu.memory_space<vmem_shared>>) dst(%dma_wait3A_766 : memref<2x64x128xf32, #tpu.memory_space<hbm>>)
    }
    %scan3A_5 = arith.constant 5 : i32
    return
  }
}

</mosaic_0001>

<sc_bundles>
// kernel: _recombine_sc.3.cloned.1.call-start
scs
__scs_entry_jumppad:
0x0: {  	(pc) =	sbr.rel $0x88, $3  }
0x1: {  	(tag) =	ssettag $0x0;
	lr =	simm.s32 $0x1  }
0x2: {  	[smem:$0x3FA0] =	sst lr;
	_ =	strace $0xD0000000  }
0x3: {  	_ = 	snop  }
0x4: {  	_ = 	snop  }
0x5: {  	_ = 	snop  }
0x6: {  	_ = 	snop  }
0x7: {  	_ = 	snop  }
__scs_overlays_trampoline_lowered:
0x8: {  	[smem:$0x3FAF] =	sst s0  }
0x9: {  	[smem:$0x3FB0] =	sst s1  }
0xa: {  	[smem:$0x3FB1] =	sst s2  }
0xb: {  	[smem:$0x3FB2] =	sst s3  }
0xc: {  	[smem:$0x3FB3] =	sst s4  }
0xd: {  	[smem:$0x3FB4] =	sst s5  }
0xe: {  	[smem:$0x3FB5] =	sst s6  }
0xf: {  	[smem:$0x3FB6] =	sst s7  }
0x10: {  	[smem:$0x3FB7] =	sst s8  }
0x11: {  	[smem:$0x3FB8] =	sst s9;
	s0 =	simm.s32 @!p0 $0x0  }
0x12: {  	s1 =	sld [smem:$0x3F9E];
	s0 =	simm.s32 @p0 $0x1  }
0x13: {  	[smem:$0x3FB9] =	sst s0;
	s0 =	simm.s32 @!p1 $0x0  }
0x14: {  	s2 =	sld [smem:$0x3F9D];
	s0 =	simm.s32 @p1 $0x1  }
0x15: {  	[smem:$0x3FBA] =	sst s0;
	s0 =	simm.s32 @!p2 $0x0  }
0x16: {  	s3 =	sld [smem:$0x3FDB];
	s0 =	simm.s32 @p2 $0x1  }
0x17: {  	s4 =	simm.s32 $0x1BF5;
	[smem:$0x3FBC] =	sst s0  }
0x18: {  	s0 =	sld [smem:$0x3F9F];
	_ =	swait.ge [sflag:s4], $0x0  }
0x19: {  	s7 =	sld [smem:$0x3FA0]  }
0x1a: {  	s8 =	sadd.s32 $0xFFFFE003, lr  }
0x1b: {  	s9 =	sadd.s32 $0xFFFFFEF7, lr;
	s5 =	simm.s32 $0xFFFFFFFF;
	p2 =	slt.u32 s8, $0xFFFFF086  }
0x1c: {  	p1 =	slt.u32 s9, $0xF7A;
	s5 =	simm.s32 @!p2 $0x0  }
0x1d: {  	s5 =	simm.s32 @p1 $0x1;
	p0 =	seq.s32 s7, s2  }
0x1e: {  	s7 =	smul.u32 @!p0 $0xF7A, s2;
	p2 =	seq.s32 @!p0 s5, $0x0  }
0x1f: {  	s9 =	smul.u32 $0xF7A, s1;
	s8 =	simm.s32 @!p0 $0x1BF5;
	p2 =	por !p2, p0  }
0x20: {  	[sflag:s8] =	ssyncset.s32 @!p0 $0xFFFFF086;
	s6 =	sadd.s32 @!p0 s3, s7;
	s7 =	simm.s32 @!p0 $0x108  }
0x21: {  	s3 =	sadd.s32 s3, s9;
	s6 =	sadd.s32 @!p0 $0x88, s6;
	s7 =	simm.s32 @p2 $0x1082  }
0x22: {  	[simem:s7], [sflag:s8] =	dma.local @!p0 [hbm:s6], $0xF7A  }
0x23: {  	s9 =	sor.u32 $0xD0000000, s2;
	s6 =	simm.s32 $0x108;
	_ =	swait.ge @!p0 [sflag:s8], $0x0  }
0x24: {  	s3 =	sadd.s32 $0x88, s3;
	s6 =	simm.s32 @!p1 $0x1082;
	[sflag:s4] =	ssyncset.s32 $0xFFFFF086  }
0x25: {  	[simem:s6], [sflag:s4] =	dma.local [hbm:s3], $0xF7A  }
0x26: {  	[smem:$0x3FA0] =	sst s1;
	(tag) =	ssettag s2;
	_ =	strace s9  }
0x27: {  	s1 =	sld [smem:$0x3FB0]  }
0x28: {  	s2 =	sld [smem:$0x3FB1]  }
0x29: {  	s4 =	sld [smem:$0x3FB3]  }
0x2a: {  	p0 =	seq.s32 s5, $0x0;
	s5 =	sld [smem:$0x3FB4]  }
0x2b: {  	s6 =	sld [smem:$0x3FB5]  }
0x2c: {  	s7 =	sld [smem:$0x3FB6]  }
0x2d: {  	s3 =	simm.s32 $0x108;
	s8 =	sld [smem:$0x3FB7]  }
0x2e: {  	s3 =	simm.s32 @!p0 $0x1082;
	s9 =	sld [smem:$0x3FB8]  }
0x2f: {  	lr =	sadd.s32 s0, s3;
	s0 =	sld [smem:$0x3FAF]  }
0x30: {  	s3 =	sld [smem:$0x3FB2]  }
0x31: {  	[smem:$0x3FBB] =	sst s10  }
0x32: {  	s10 =	sld [smem:$0x3FB9];
	_ =	sdelay $0x3  }
0x33: {  	p0 =	seq.s32 s10, $0x1;
	s10 =	sld [smem:$0x3FBB];
	_ =	sdelay $0x3  }
0x34: {  	[smem:$0x3FBB] =	sst s10  }
0x35: {  	s10 =	sld [smem:$0x3FBA];
	_ =	sdelay $0x3  }
0x36: {  	p1 =	seq.s32 s10, $0x1;
	s10 =	sld [smem:$0x3FBB];
	_ =	sdelay $0x3  }
0x37: {  	[smem:$0x3FBB] =	sst s10  }
0x38: {  	s10 =	sld [smem:$0x3FBC]  }
0x39: {  	_ = 	snop;
	(pc) =	sbr.ind lr, $3  }
0x3a: {  	_ = 	snop  }
0x3b: {  	_ = 	snop  }
0x3c: {  	p2 =	seq.s32 s10, $0x1;
	s10 =	sld [smem:$0x3FBB]  }
0x3d: {  	_ =	shalt  }
0x3e: {  	_ =	shalt  }
0x3f: {  	_ =	shalt  }
0x40: {  	_ =	shalt  }
0x41: {  	_ =	shalt  }
0x42: {  	_ =	shalt  }
0x43: {  	_ =	shalt  }
0x44: {  	_ =	shalt  }
0x45: {  	_ =	shalt  }
0x46: {  	_ =	shalt  }
0x47: {  	_ =	shalt  }
0x48: {  	_ =	shalt  }
0x49: {  	_ =	shalt  }
0x4a: {  	_ =	shalt  }
0x4b: {  	_ =	shalt  }
0x4c: {  	_ =	shalt  }
0x4d: {  	_ =	shalt  }
0x4e: {  	_ =	shalt  }
0x4f: {  	_ =	shalt  }
0x50: {  	_ =	shalt  }
0x51: {  	_ =	shalt  }
0x52: {  	_ =	shalt  }
0x53: {  	_ =	shalt  }
0x54: {  	_ =	shalt  }
0x55: {  	_ =	shalt  }
0x56: {  	_ =	shalt  }
0x57: {  	_ =	shalt  }
0x58: {  	_ =	shalt  }
0x59: {  	_ =	shalt  }
0x5a: {  	_ =	shalt  }
0x5b: {  	_ =	shalt  }
0x5c: {  	_ =	shalt  }
0x5d: {  	_ =	shalt  }
0x5e: {  	_ =	shalt  }
0x5f: {  	_ =	shalt  }
0x60: {  	_ =	shalt  }
0x61: {  	_ =	shalt  }
0x62: {  	_ =	shalt  }
0x63: {  	_ =	shalt  }
0x64: {  	_ =	shalt  }
0x65: {  	_ =	shalt  }
0x66: {  	_ =	shalt  }
0x67: {  	_ =	shalt  }
0x68: {  	_ =	shalt  }
0x69: {  	_ =	shalt  }
0x6a: {  	_ =	shalt  }
0x6b: {  	_ =	shalt  }
0x6c: {  	_ =	shalt  }
0x6d: {  	_ =	shalt  }
0x6e: {  	_ =	shalt  }
0x6f: {  	_ =	shalt  }
0x70: {  	_ =	shalt  }
0x71: {  	_ =	shalt  }
0x72: {  	_ =	shalt  }
0x73: {  	_ =	shalt  }
0x74: {  	_ =	shalt  }
0x75: {  	_ =	shalt  }
0x76: {  	_ =	shalt  }
0x77: {  	_ =	shalt  }
0x78: {  	_ =	shalt  }
0x79: {  	_ =	shalt  }
0x7a: {  	_ =	shalt  }
0x7b: {  	_ =	shalt  }
0x7c: {  	_ =	shalt  }
0x7d: {  	_ =	shalt  }
0x7e: {  	_ =	shalt  }
0x7f: {  	_ =	shalt  }
0x80: {  	_ =	shalt  }
0x81: {  	_ =	shalt  }
0x82: {  	_ =	shalt  }
0x83: {  	_ =	shalt  }
0x84: {  	_ =	shalt  }
0x85: {  	_ =	shalt  }
0x86: {  	_ =	shalt  }
0x87: {  	_ =	shalt  }
.Lfunc_end0:
.L_simem_size_0:
called_computation_lowered:
.L_overlay_start_0:
0x88: {  	s2 =	sld [smem:$0x3FD9]  }
0x89: {  	s3 =	sld [smem:$0x3FFE];
	_ =	sdelay $0x1  }
0x8a: {  	s1 =	srdreg.scid  }
0x8b: {  	s0 =	sand.u32 $0x1, s1  }
0x8c: {  	s18 =	sshll.u32 s0, $0xA;
	s2 =	sadd.s32 s3, s2  }
0x8d: {  	s2 =	sadd.s32 s2, s18  }
0x8e: {  	[smem:$0x3FC7] =	sst s2  }
0x8f: {  	_ = 	snop  }
0x90: {  	s2 =	sld [smem:$0x3FC9]  }
0x91: {  	s19 =	sld [smem:$0x3FD0];
	(tm) =	ssettm $0x1  }
0x92: {  	s4 =	sld [smem:$0x3FFB];
	_ =	sdelay $0x3  }
0x93: {  	_ =	strace s4  }
0x94: {  	s4 =	sld [smem:$0x3FFC];
	_ =	sdelay $0x3  }
0x95: {  	_ =	strace s4  }
0x96: {  	s4 =	sld [smem:$0x3FFD];
	_ =	sdelay $0x3  }
0x97: {  	_ =	strace s4  }
0x98: {  	_ =	strace $0x8FFFFFFF  }
0x99: {  	s20 =	sld [smem:$0x3FDB];
	_ =	sdelay $0x1  }
0x9a: {  	s5 =	simm.s32 $_scs_section_size  }
0x9b: {  	s6 =	simm.s32 $_size__tile_overlayer_lowered;
	s7 =	simm.s32 $_tile_overlayer_lowered  }
0x9c: {  	s23 =	simm.s32 $0x1BFF;
	s22 =	sshll.u32 s7, $0x1;
	s4 =	sadd.s32 s5, s20  }
0x9d: {  	s8 =	simm.s32 $0x0;
	s21 =	sshll.u32 s6, $0x1;
	s6 =	sadd.s32 s22, s4  }
0x9e: {  	[timem:s8], [sflag:s23] =	dma.local [hbm:s6], s21  }
0x9f: {  	_ =	swait.ge [sflag:s23], s21  }
0xa0: {  	s5 =	ssub.s32 $0x0, s21;
	[sflag:s23] =	ssyncset.done $0x0  }
0xa1: {  	[sflag:s23] =	ssyncadd.s32 s5;
	_ =	sdelay $0x1  }
0xa2: {  	s24 =	simm.s32 $0x1B8B  }
0xa3: {  	_ =	swait.ge [sflag:s24], $0x1  }
0xa4: {  	[sflag:s24] =	ssyncset.done $0x0  }
0xa5: {  	s25 =	simm.s32 $0x1B8E;
	[sflag:s24] =	ssyncadd.s32 $0xFFFFFFFF  }
0xa6: {  	s26 =	simm.s32 $execute0_lowered;
	[smem:$0x3FD2] =	sst s25  }
0xa7: {  	s5 =	sshll.u32 s26, $0x1;
	_ =	strace $0x80000046;
	[dreg:$0x1] =	wrdreg $0xFFFFFFFF  }
0xa8: {  	s28 =	simm.s32 $_size_execute0_lowered;
	s4 =	sadd.s32 s4, s5;
	[dreg:$0x0] =	wrdreg $0x0  }
0xa9: {  	s5 =	sshll.u32 s28, $0x1;
	[dreg:$0x2] =	wrdreg s4  }
0xaa: {  	[dreg:$0x3] =	wrdreg s5  }
0xab: {  	[dreg:$0x4] =	wrdreg $0xC0  }
0xac: {  	_ =	task [dreg:s8], $0x5FFFF  }
0xad: {  	[dreg:$0x1] =	wrdreg $0xFFFFFFFF  }
0xae: {  	[dreg:$0x0] =	wrdreg $0x60  }
0xaf: {  	[dreg:$0x2] =	wrdreg s2  }
0xb0: {  	[dreg:$0x3] =	wrdreg s19  }
0xb1: {  	[dreg:$0x4] =	wrdreg $0x100000  }
0xb2: {  	[dreg:$0x5] =	wrdreg $0x9  }
0xb3: {  	_ =	task.clear_ibuf [dreg:s8], $0x6FFFF;
	_ =	strace $0x90000046  }
0xb4: {  	s29 =	simm.s32 $0x9;
	_ =	strace $0x80000048  }
0xb5: {  	_ =	swait.ge [sflag:s29], $0x1  }
0xb6: {  	[sflag:s29] =	ssyncadd.s32 $0xFFFFFFFF  }
0xb7: {  	_ =	strace $0x90000048  }
0xb8: {  	_ =	sfence  }
0xb9: {  	s30 =	sld [smem:$0x0];
	_ =	sdelay $0x2  }
0xba: {  	s31 =	sshll.u32 s1, $0xD;
	s1 =	sshrl.u32 s1, $0x2  }
0xbb: {  	s3 =	sand.u32 $0x4000, s31;
	s1 =	sadd.s32 s1, s30  }
0xbc: {  	s0 =	sor.u32 s3, s0;
	s1 =	sshll.u32 s1, $0x11  }
0xbd: {  	s0 =	sor.u32 s1, s0  }
0xbe: {  	s0 =	sadd.s32 $0x8F2B, s0  }
0xbf: {  	[sflag:s0] =	ssyncadd.remote.s32 $0x1  }
0xc0: {  	_ =	sfence.sel $0xFFFF  }
0xc1: {  	[dreg:$0x0] =	wrdreg $0xFFFFFFFF;
	(pc) =	sbr.abs _section_cstart, $3  }
0xc2: {  	[dreg:$0x1] =	wrdreg $0xFFFFFFFF  }
0xc3: {  	_ =	task.clear_ibuf [dreg:s8], $0x2FFFF;
	_ =	strace $0x9FFFFFFF  }
0xc4: {  	(tm) =	ssettm $0x7FFFFFFF  }
0xc5: {  	_ =	shalt  }
tec
execute0_lowered:
.L_overlay_start_1:
0x0: {  	(tag) =	ssettag $0x1  }
0x1: {  	s1 =	rddreg [dreg:$0x0]  }
0x2: {  	s2 =	rddreg [dreg:$0x1]  }
0x3: {  	s0 =	rddreg [dreg:$0x2]  }
0x4: {  	s3 =	simm.s32 $0x0;
	s4 =	srdreg.scid;
	s10 =	stileid.u32  }
0x5: {  	s11 =	simm.s32 $0x1;
	s12 =	simm.s32 $0x8000;
	s13 =	simm.s32 $0x4000  }
0x6: {  	s14 =	simm.s32 $0x6000;
	s15 =	simm.s32 $0x2;
	s16 =	simm.s32 $0x3  }
0x7: {  	s17 =	simm.s32 $0xA000;
	[smem:$0x7FF] =	sst s3;
	s4 =	sand.u32 $0x1, s4  }
0x8: {  	s5 =	sadd.s32 $0x4000, s2;
	s18 =	sadd.s32 $0x1C000, s2;
	s8 =	sshll.u32 s10, $0xF  }
0x9: {  	s9 =	sadd.s32 $0xC000, s2;
	_ =	strace $0x80000047;
	[dreg:$0x4] =	wrdreg s5  }
0xa: {  	s20 =	sadd.s32 $0x18000, s2;
	s21 =	sadd.s32 $0xA000, s2;
	[dreg:$0x5] =	wrdreg s18  }
0xb: {  	s22 =	smul.u32 $0x2800, s10;
	s23 =	sadd.s32 $0x6000, s2;
	[dreg:$0x6] =	wrdreg s9  }
0xc: {  	s25 =	sadd.s32 $0x12000, s2;
	s10 =	smul.u32 $0xA, s10;
	[dreg:$0x7] =	wrdreg s20  }
0xd: {  	s26 =	sadd.s32 $0x1E000, s2;
	s2 =	simm.s32 $0x0;
	[dreg:$0x8] =	wrdreg s21  }
0xe: {  	s6 =	ssub.s32 $0x2, s4;
	s24 =	smul.u32 $0x1400, s4;
	[dreg:$0x9] =	wrdreg s23  }
0xf: {  	s19 =	sadd.s32 s8, s0;
	[dreg:$0xa] =	wrdreg s25;
	s4 =	smul.u32 $0x5, s4  }
0x10: {  	[dreg:$0xb] =	wrdreg s26;
	s9 =	simm.s32 $0x400;
	s18 =	simm.s32 $0xC000  }
0x11: {  	s20 =	simm.s32 $0x8;
	[dreg:$0xd] =	wrdreg s19;
	s28 =	sadd.s32 $0x4000, s19  }
0x12: {  	s7 =	sshrl.u32 s6, $0x1;
	[dreg:$0xe] =	wrdreg s28;
	s30 =	sadd.s32 s24, s22  }
0x13: {  	s7 =	ssub.s32 s6, s7;
	s31 =	sadd.s32 s4, s10;
	[dreg:$0x10] =	wrdreg s30  }
0x14: {  	s21 =	simm.s32 $0x80;
	s29 =	smax.u32 s7, $0x1;
	[dreg:$0xc] =	wrdreg s31  }
0x15: {  	s19 =	simm.s32 $0xE000;
	s10 =	simm.s32 $0x2000;
	[dreg:$0xf] =	wrdreg s29  }
.LBB2_1:
0x16: {  	s0 =	rddreg [dreg:$0xc]  }
0x17: {  	s0 =	sadd.s32 $0x0, s0  }
0x18: {  	s0 =	sshrl.u32 s0, $0x3  }
0x19: {  	s6 =	rddreg [dreg:$0x10];
	s4 =	smul.u32 $0x140000, s0  }
0x1a: {  	s23 =	sand.u32 $0x1C00, s6  }
0x1b: {  	s25 =	sor.u32 s23, s4  }
0x1c: {  	s4 =	sshrl.u32 s25, $0x3  }
0x1d: {  	[dreg:$0x11] =	wrdreg s2;
	s0 =	smul.u32 $0x300000, s0;
	s4 =	sadd.s32 s1, s4  }
0x1e: {  	[tilespmem:s3], [sflag:$0x1] =	stream.strided.gather [hbm4b:s4+s9], $0x8000, s10, s9, $0x38;
	[tilespmem:$0x18000] =	vst v63  }
0x1f: {  	s30 =	sadd.s32 $0x40000, s25;
	_ =	swait.ge [sflag:s11], $0x8000  }
0x20: {  	s0 =	sor.u32 s23, s0;
	s4 =	sshrl.u32 s30, $0x3;
	[sflag:s11] =	ssyncset.done $0x0  }
0x21: {  	s4 =	sadd.s32 s1, s4;
	s31 =	rddreg [dreg:$0x4];
	[sflag:s11] =	ssyncadd.s32 $0xFFFF8000  }
0x22: {  	[tilespmem:s12], [sflag:$0x1] =	stream.strided.gather [hbm4b:s4+s9], $0x8000, s10, s9, $0x38;
	[tilespmem:$0x18000] =	vst v63  }
0x23: {  	s0 =	sshrl.u32 s0, $0x3;
	s5 =	rddreg [dreg:$0xd]  }
0x24: {  	[spmem:s5] =	stream.linear.scatter [tilespmem:s3], [sflag:$0x2], $0x4000, $0x38;
	[tilespmem:$0x18000] =	vst v63  }
0x25: {  	s2 =	sadd.s32 s0, s31  }
0x26: {  	[hbm4b:s2+s9] =	stream.strided.scatter [tilespmem:s13], [sflag:$0x3], $0x2000, s10, s9, $0x38;
	[tilespmem:$0x18000] =	vst v63  }
0x27: {  	s4 =	sadd.s32 $0xC000, s2  }
0x28: {  	[hbm4b:s4+s9] =	stream.strided.scatter [tilespmem:s14], [sflag:$0x3], $0x2000, s10, s9, $0x38;
	[tilespmem:$0x18000] =	vst v63  }
0x29: {  	_ =	swait.ge [sflag:s11], $0x8000  }
0x2a: {  	[sflag:s11] =	ssyncset.done $0x0  }
0x2b: {  	[sflag:s11] =	ssyncadd.s32 $0xFFFF8000  }
0x2c: {  	_ =	swait.ge [sflag:s15], $0x4000  }
0x2d: {  	[sflag:s15] =	ssyncset.done $0x0  }
0x2e: {  	[sflag:s15] =	ssyncadd.s32 $0xFFFFC000  }
0x2f: {  	s7 =	sadd.s32 $0x80000, s25;
	_ =	swait.ge [sflag:s16], $0x4000  }
0x30: {  	s4 =	sshrl.u32 s7, $0x3;
	[sflag:s16] =	ssyncset.done $0x0  }
0x31: {  	s4 =	sadd.s32 s1, s4;
	s8 =	rddreg [dreg:$0x5];
	[sflag:s16] =	ssyncadd.s32 $0xFFFFC000  }
0x32: {  	[tilespmem:s3], [sflag:$0x1] =	stream.strided.gather [hbm4b:s4+s9], $0x8000, s10, s9, $0x38;
	[tilespmem:$0x18000] =	vst v63  }
0x33: {  	s22 =	sadd.s32 s0, s8  }
0x34: {  	[hbm4b:s22+s9] =	stream.strided.scatter [tilespmem:s12], [sflag:$0x3], $0x2000, s10, s9, $0x38;
	[tilespmem:$0x18000] =	vst v63  }
0x35: {  	s31 =	stileid.u32;
	s24 =	sshrl.u32 s5, $0x3;
	s23 =	sadd.s32 $0xC000, s22  }
0x36: {  	[hbm4b:s23+s9] =	stream.strided.scatter [tilespmem:s17], [sflag:$0x3], $0x2000, s10, s9, $0x38;
	[tilespmem:$0x18000] =	vst v63  }
0x37: {  	s26 =	sshll.u32 s31, $0x6;
	s30 =	sadd.s32 $0x18000, s22;
	s4 =	rddreg [dreg:$0x1]  }
0x38: {  	[hbm4b:s30+s9] =	stream.strided.scatter [tilespmem:s18], [sflag:$0x3], $0x2000, s10, s9, $0x38;
	[tilespmem:$0x18000] =	vst v63  }
0x39: {  	s28 =	sadd.s32 $0x24000, s22;
	s4 =	sadd.s32 s4, s0;
	s23 =	sor.u32 $0x1C03, s26  }
0x3a: {  	[hbm4b:s28+s9] =	stream.strided.scatter [tilespmem:s19], [sflag:$0x3], $0x2000, s10, s9, $0x38;
	[tilespmem:$0x18000] =	vst v63  }
0x3b: {  	[hbm:s4@s9], [sflag:s23] =	dma.strided [spmem:s24@s21], $0x800, s20, $0x10   }
0x3c: {  	s5 =	rddreg [dreg:$0x6]  }
0x3d: {  	s7 =	sadd.s32 $0x24000, s4;
	s26 =	sadd.s32 s0, s5  }
0x3e: {  	[hbm:s26@s9], [sflag:s23] =	dma.strided [spmem:s24@s21], $0x800, s20, $0x10   }
0x3f: {  	s8 =	sadd.s32 $0x30000, s4;
	s22 =	sadd.s32 $0x3C000, s4;
	s26 =	rddreg [dreg:$0x7]  }
0x40: {  	s31 =	sadd.s32 $0x54000, s4;
	s30 =	sadd.s32 $0x48000, s4;
	s26 =	sadd.s32 s0, s26  }
0x41: {  	[hbm:s26@s9], [sflag:s23] =	dma.strided [spmem:s24@s21], $0x800, s20, $0x10   }
0x42: {  	[hbm:s7@s9], [sflag:s23] =	dma.strided [spmem:s24@s21], $0x800, s20, $0x10   }
0x43: {  	[hbm:s8@s9], [sflag:s23] =	dma.strided [spmem:s24@s21], $0x800, s20, $0x10   }
0x44: {  	[hbm:s22@s9], [sflag:s23] =	dma.strided [spmem:s24@s21], $0x800, s20, $0x10   }
0x45: {  	[hbm:s30@s9], [sflag:s23] =	dma.strided [spmem:s24@s21], $0x800, s20, $0x10   }
0x46: {  	[hbm:s31@s9], [sflag:s23] =	dma.strided [spmem:s24@s21], $0x800, s20, $0x10   }
0x47: {  	_ =	swait.ge [sflag:s11], $0x8000  }
0x48: {  	[sflag:s11] =	ssyncset.done $0x0  }
0x49: {  	[sflag:s11] =	ssyncadd.s32 $0xFFFF8000  }
0x4a: {  	s2 =	sadd.s32 $0xC0000, s25;
	_ =	swait.ge [sflag:s16], $0x8000  }
0x4b: {  	s26 =	sshrl.u32 s2, $0x3;
	[sflag:s16] =	ssyncset.done $0x0  }
0x4c: {  	s26 =	sadd.s32 s1, s26;
	[sflag:s16] =	ssyncadd.s32 $0xFFFF8000  }
0x4d: {  	[tilespmem:s12], [sflag:$0x1] =	stream.strided.gather [hbm4b:s26+s9], $0x8000, s10, s9, $0x38;
	[tilespmem:$0x18000] =	vst v63  }
0x4e: {  	s5 =	sadd.s32 $0x4C000, s4  }
0x4f: {  	[hbm4b:s5+s9] =	stream.strided.scatter [tilespmem:s3], [sflag:$0x3], $0x2000, s10, s9, $0x38;
	[tilespmem:$0x18000] =	vst v63  }
0x50: {  	s26 =	sadd.s32 $0xC000, s5  }
0x51: {  	[hbm4b:s26+s9] =	stream.strided.scatter [tilespmem:s10], [sflag:$0x3], $0x2000, s10, s9, $0x38;
	[tilespmem:$0x18000] =	vst v63  }
0x52: {  	s7 =	rddreg [dreg:$0xe]  }
0x53: {  	[spmem:s7] =	stream.linear.scatter [tilespmem:s13], [sflag:$0x2], $0x4000, $0x38;
	[tilespmem:$0x18000] =	vst v63  }
0x54: {  	_ =	swait.ge [sflag:s11], $0x8000  }
0x55: {  	[sflag:s11] =	ssyncset.done $0x0  }
0x56: {  	[sflag:s11] =	ssyncadd.s32 $0xFFFF8000  }
0x57: {  	_ =	swait.ge [sflag:s16], $0x4000  }
0x58: {  	[sflag:s16] =	ssyncset.done $0x0  }
0x59: {  	[sflag:s16] =	ssyncadd.s32 $0xFFFFC000  }
0x5a: {  	s25 =	sadd.s32 $0x100000, s25;
	_ =	swait.ge [sflag:s15], $0x4000  }
0x5b: {  	s25 =	sshrl.u32 s25, $0x3;
	[sflag:s15] =	ssyncset.done $0x0  }
0x5c: {  	s25 =	sadd.s32 s1, s25;
	s8 =	rddreg [dreg:$0x8];
	[sflag:s15] =	ssyncadd.s32 $0xFFFFC000  }
0x5d: {  	[tilespmem:s3], [sflag:$0x1] =	stream.strided.gather [hbm4b:s25+s9], $0x8000, s10, s9, $0x38;
	[tilespmem:$0x18000] =	vst v63  }
0x5e: {  	s22 =	sadd.s32 s0, s8  }
0x5f: {  	[hbm4b:s22+s9] =	stream.strided.scatter [tilespmem:s12], [sflag:$0x3], $0x2000, s10, s9, $0x38;
	[tilespmem:$0x18000] =	vst v63  }
0x60: {  	s26 =	sadd.s32 $0xC000, s22  }
0x61: {  	[hbm4b:s26+s9] =	stream.strided.scatter [tilespmem:s17], [sflag:$0x3], $0x2000, s10, s9, $0x38;
	[tilespmem:$0x18000] =	vst v63  }
0x62: {  	s30 =	sadd.s32 $0x18000, s22  }
0x63: {  	[hbm4b:s30+s9] =	stream.strided.scatter [tilespmem:s18], [sflag:$0x3], $0x2000, s10, s9, $0x38;
	[tilespmem:$0x18000] =	vst v63  }
0x64: {  	s31 =	rddreg [dreg:$0x9];
	s25 =	sadd.s32 $0x24000, s22  }
0x65: {  	[hbm4b:s25+s9] =	stream.strided.scatter [tilespmem:s19], [sflag:$0x3], $0x2000, s10, s9, $0x38;
	[tilespmem:$0x18000] =	vst v63  }
0x66: {  	s26 =	sadd.s32 s0, s31;
	s25 =	sshrl.u32 s7, $0x3  }
0x67: {  	[hbm:s26@s9], [sflag:s23] =	dma.strided [spmem:s25@s21], $0x800, s20, $0x10   }
0x68: {  	s26 =	rddreg [dreg:$0xa]  }
0x69: {  	s2 =	sadd.s32 $0x2A000, s4;
	s26 =	sadd.s32 s0, s26  }
0x6a: {  	[hbm:s26@s9], [sflag:s23] =	dma.strided [spmem:s25@s21], $0x800, s20, $0x10   }
0x6b: {  	s5 =	sadd.s32 $0x42000, s4;
	s8 =	sadd.s32 $0x4E000, s4;
	s26 =	rddreg [dreg:$0xb]  }
0x6c: {  	s22 =	sadd.s32 $0x5A000, s4;
	s7 =	sadd.s32 $0x36000, s4;
	s0 =	sadd.s32 s0, s26  }
0x6d: {  	[hbm:s0@s9], [sflag:s23] =	dma.strided [spmem:s25@s21], $0x800, s20, $0x10   }
0x6e: {  	[hbm:s2@s9], [sflag:s23] =	dma.strided [spmem:s25@s21], $0x800, s20, $0x10   }
0x6f: {  	[hbm:s7@s9], [sflag:s23] =	dma.strided [spmem:s25@s21], $0x800, s20, $0x10   }
0x70: {  	[hbm:s5@s9], [sflag:s23] =	dma.strided [spmem:s25@s21], $0x800, s20, $0x10   }
0x71: {  	[hbm:s8@s9], [sflag:s23] =	dma.strided [spmem:s25@s21], $0x800, s20, $0x10   }
0x72: {  	[hbm:s22@s9], [sflag:s23] =	dma.strided [spmem:s25@s21], $0x800, s20, $0x10   }
0x73: {  	_ =	swait.ge [sflag:s11], $0x8000  }
0x74: {  	[sflag:s11] =	ssyncset.done $0x0  }
0x75: {  	s26 =	sadd.s32 $0x3A000, s4;
	[sflag:s11] =	ssyncadd.s32 $0xFFFF8000  }
0x76: {  	[hbm4b:s26+s9] =	stream.strided.scatter [tilespmem:s3], [sflag:$0x3], $0x2000, s10, s9, $0x38;
	[tilespmem:$0x18000] =	vst v63  }
0x77: {  	s0 =	sadd.s32 $0xC000, s26  }
0x78: {  	[hbm4b:s0+s9] =	stream.strided.scatter [tilespmem:s10], [sflag:$0x3], $0x2000, s10, s9, $0x38;
	[tilespmem:$0x18000] =	vst v63  }
0x79: {  	s30 =	sadd.s32 $0x52000, s4  }
0x7a: {  	[hbm4b:s30+s9] =	stream.strided.scatter [tilespmem:s13], [sflag:$0x3], $0x2000, s10, s9, $0x38;
	[tilespmem:$0x18000] =	vst v63  }
0x7b: {  	s31 =	sadd.s32 $0x5E000, s4  }
0x7c: {  	[hbm4b:s31+s9] =	stream.strided.scatter [tilespmem:s14], [sflag:$0x3], $0x2000, s10, s9, $0x38;
	[tilespmem:$0x18000] =	vst v63  }
0x7d: {  	_ =	swait.ge [sflag:s16], $0x8000  }
0x7e: {  	[sflag:s16] =	ssyncset.done $0x0  }
0x7f: {  	[sflag:s16] =	ssyncadd.s32 $0xFFFF8000  }
0x80: {  	_ =	swait.ge [sflag:s16], $0x8000  }
0x81: {  	[sflag:s16] =	ssyncset.done $0x0  }
0x82: {  	[sflag:s16] =	ssyncadd.s32 $0xFFFF8000  }
0x83: {  	_ =	swait.ge [sflag:s16], $0x800  }
0x84: {  	[sflag:s16] =	ssyncset.done $0x0  }
0x85: {  	[sflag:s16] =	ssyncadd.s32 $0xFFFFF800  }
0x86: {  	_ =	swait.ge [sflag:s16], $0x800  }
0x87: {  	[sflag:s16] =	ssyncset.done $0x0  }
0x88: {  	[sflag:s16] =	ssyncadd.s32 $0xFFFFF800  }
0x89: {  	_ =	swait.ge [sflag:s16], $0x800  }
0x8a: {  	[sflag:s16] =	ssyncset.done $0x0  }
0x8b: {  	[sflag:s16] =	ssyncadd.s32 $0xFFFFF800  }
0x8c: {  	_ =	swait.ge [sflag:s16], $0x800  }
0x8d: {  	[sflag:s16] =	ssyncset.done $0x0  }
0x8e: {  	[sflag:s16] =	ssyncadd.s32 $0xFFFFF800  }
0x8f: {  	_ =	swait.ge [sflag:s16], $0x800  }
0x90: {  	[sflag:s16] =	ssyncset.done $0x0  }
0x91: {  	[sflag:s16] =	ssyncadd.s32 $0xFFFFF800  }
0x92: {  	_ =	swait.ge [sflag:s16], $0x800  }
0x93: {  	[sflag:s16] =	ssyncset.done $0x0  }
0x94: {  	[sflag:s16] =	ssyncadd.s32 $0xFFFFF800  }
0x95: {  	_ =	swait.ge [sflag:s16], $0x800  }
0x96: {  	[sflag:s16] =	ssyncset.done $0x0  }
0x97: {  	[sflag:s16] =	ssyncadd.s32 $0xFFFFF800  }
0x98: {  	_ =	swait.ge [sflag:s16], $0x800  }
0x99: {  	[sflag:s16] =	ssyncset.done $0x0  }
0x9a: {  	[sflag:s16] =	ssyncadd.s32 $0xFFFFF800  }
0x9b: {  	_ =	swait.ge [sflag:s16], $0x800  }
0x9c: {  	[sflag:s16] =	ssyncset.done $0x0  }
0x9d: {  	[sflag:s16] =	ssyncadd.s32 $0xFFFFF800  }
0x9e: {  	_ =	swait.ge [sflag:s16], $0x800  }
0x9f: {  	[sflag:s16] =	ssyncset.done $0x0  }
0xa0: {  	[sflag:s16] =	ssyncadd.s32 $0xFFFFF800  }
0xa1: {  	_ =	swait.ge [sflag:s16], $0x800  }
0xa2: {  	[sflag:s16] =	ssyncset.done $0x0  }
0xa3: {  	[sflag:s16] =	ssyncadd.s32 $0xFFFFF800  }
0xa4: {  	_ =	swait.ge [sflag:s16], $0x800  }
0xa5: {  	[sflag:s16] =	ssyncset.done $0x0  }
0xa6: {  	[sflag:s16] =	ssyncadd.s32 $0xFFFFF800  }
0xa7: {  	_ =	swait.ge [sflag:s16], $0x800  }
0xa8: {  	[sflag:s16] =	ssyncset.done $0x0  }
0xa9: {  	[sflag:s16] =	ssyncadd.s32 $0xFFFFF800  }
0xaa: {  	_ =	swait.ge [sflag:s16], $0x800  }
0xab: {  	[sflag:s16] =	ssyncset.done $0x0  }
0xac: {  	[sflag:s16] =	ssyncadd.s32 $0xFFFFF800  }
0xad: {  	s29 =	simm.s32 $0x2;
	_ =	swait.ge [sflag:s16], $0x800  }
0xae: {  	s28 =	smov.u32 s6;
	s26 =	simm.s32 $0x1;
	[sflag:s16] =	ssyncset.done $0x0  }
.LBB2_2:
0xaf: {  	[sflag:s16] =	ssyncadd.s32 $0xFFFFF800  }
0xb0: {  	_ =	swait.ge [sflag:s16], $0x800  }
0xb1: {  	s4 =	rddreg [dreg:$0xc]  }
0xb2: {  	s4 =	sadd.s32 s26, s4  }
0xb3: {  	s8 =	sshrl.u32 s4, $0x3  }
0xb4: {  	s28 =	sadd.s32 $0x400, s28;
	s30 =	smul.u32 $0x140000, s8  }
0xb5: {  	s0 =	smov.u32 s29;
	s22 =	sand.u32 $0x1C00, s28  }
0xb6: {  	s26 =	smov.u32 s0;
	s0 =	smul.u32 $0x300000, s8;
	s30 =	sor.u32 s22, s30  }
0xb7: {  	[sflag:s16] =	ssyncset.done $0x0;
	s31 =	sshrl.u32 s30, $0x3  }
0xb8: {  	[sflag:s16] =	ssyncadd.s32 $0xFFFFF800;
	s0 =	sor.u32 s22, s0;
	s2 =	sadd.s32 s1, s31  }
0xb9: {  	[tilespmem:s3], [sflag:$0x1] =	stream.strided.gather [hbm4b:s2+s9], $0x8000, s10, s9, $0x38;
	[tilespmem:$0x18000] =	vst v63  }
0xba: {  	s7 =	sadd.s32 $0x40000, s30;
	s5 =	sadd.s32 $0x80000, s30;
	_ =	swait.ge [sflag:s11], $0x8000  }
0xbb: {  	s6 =	sadd.s32 $0xC0000, s30;
	s7 =	sshrl.u32 s7, $0x3;
	[sflag:s11] =	ssyncset.done $0x0  }
0xbc: {  	s7 =	sadd.s32 s1, s7;
	s22 =	rddreg [dreg:$0x4];
	[sflag:s11] =	ssyncadd.s32 $0xFFFF8000  }
0xbd: {  	[tilespmem:s12], [sflag:$0x1] =	stream.strided.gather [hbm4b:s7+s9], $0x8000, s10, s9, $0x38;
	[tilespmem:$0x18000] =	vst v63  }
0xbe: {  	s8 =	sadd.s32 $0x100000, s30;
	s30 =	sshrl.u32 s0, $0x3;
	s2 =	rddreg [dreg:$0xd]  }
0xbf: {  	[spmem:s2] =	stream.linear.scatter [tilespmem:s3], [sflag:$0x2], $0x4000, $0x38;
	[tilespmem:$0x18000] =	vst v63  }
0xc0: {  	s0 =	sshrl.u32 s8, $0x3;
	s8 =	sadd.s32 s30, s22  }
0xc1: {  	[hbm4b:s8+s9] =	stream.strided.scatter [tilespmem:s13], [sflag:$0x3], $0x2000, s10, s9, $0x38;
	[tilespmem:$0x18000] =	vst v63  }
0xc2: {  	s7 =	sadd.s32 $0xC000, s8  }
0xc3: {  	[hbm4b:s7+s9] =	stream.strided.scatter [tilespmem:s14], [sflag:$0x3], $0x2000, s10, s9, $0x38;
	[tilespmem:$0x18000] =	vst v63  }
0xc4: {  	_ =	swait.ge [sflag:s11], $0x8000  }
0xc5: {  	[sflag:s11] =	ssyncset.done $0x0  }
0xc6: {  	[sflag:s11] =	ssyncadd.s32 $0xFFFF8000  }
0xc7: {  	_ =	swait.ge [sflag:s15], $0x4000  }
0xc8: {  	[sflag:s15] =	ssyncset.done $0x0  }
0xc9: {  	[sflag:s15] =	ssyncadd.s32 $0xFFFFC000  }
0xca: {  	_ =	swait.ge [sflag:s16], $0x4000  }
0xcb: {  	s31 =	sshrl.u32 s5, $0x3;
	[sflag:s16] =	ssyncset.done $0x0  }
0xcc: {  	s31 =	sadd.s32 s1, s31;
	s22 =	rddreg [dreg:$0x5];
	[sflag:s16] =	ssyncadd.s32 $0xFFFFC000  }
0xcd: {  	[tilespmem:s3], [sflag:$0x1] =	stream.strided.gather [hbm4b:s31+s9], $0x8000, s10, s9, $0x38;
	[tilespmem:$0x18000] =	vst v63  }
0xce: {  	s7 =	sadd.s32 s30, s22  }
0xcf: {  	[hbm4b:s7+s9] =	stream.strided.scatter [tilespmem:s12], [sflag:$0x3], $0x2000, s10, s9, $0x38;
	[tilespmem:$0x18000] =	vst v63  }
0xd0: {  	s2 =	sadd.s32 $0xC000, s7  }
0xd1: {  	[hbm4b:s2+s9] =	stream.strided.scatter [tilespmem:s17], [sflag:$0x3], $0x2000, s10, s9, $0x38;
	[tilespmem:$0x18000] =	vst v63  }
0xd2: {  	s4 =	sshrl.u32 s6, $0x3;
	s5 =	sadd.s32 $0x18000, s7;
	s6 =	rddreg [dreg:$0x1]  }
0xd3: {  	[hbm4b:s5+s9] =	stream.strided.scatter [tilespmem:s18], [sflag:$0x3], $0x2000, s10, s9, $0x38;
	[tilespmem:$0x18000] =	vst v63  }
0xd4: {  	s31 =	sadd.s32 s6, s30;
	s7 =	sadd.s32 $0x24000, s7  }
0xd5: {  	[hbm4b:s7+s9] =	stream.strided.scatter [tilespmem:s19], [sflag:$0x3], $0x2000, s10, s9, $0x38;
	[tilespmem:$0x18000] =	vst v63  }
0xd6: {  	[hbm:s31@s9], [sflag:s23] =	dma.strided [spmem:s24@s21], $0x800, s20, $0x10   }
0xd7: {  	s8 =	rddreg [dreg:$0x6]  }
0xd8: {  	s22 =	sadd.s32 $0x48000, s31;
	s7 =	sadd.s32 s30, s8  }
0xd9: {  	[hbm:s7@s9], [sflag:s23] =	dma.strided [spmem:s24@s21], $0x800, s20, $0x10   }
0xda: {  	s6 =	sadd.s32 $0x30000, s31;
	s2 =	sadd.s32 $0x54000, s31;
	s7 =	rddreg [dreg:$0x7]  }
0xdb: {  	s5 =	sadd.s32 $0x24000, s31;
	s8 =	sadd.s32 $0x3C000, s31;
	s7 =	sadd.s32 s30, s7  }
0xdc: {  	[hbm:s7@s9], [sflag:s23] =	dma.strided [spmem:s24@s21], $0x800, s20, $0x10   }
0xdd: {  	[hbm:s5@s9], [sflag:s23] =	dma.strided [spmem:s24@s21], $0x800, s20, $0x10   }
0xde: {  	[hbm:s6@s9], [sflag:s23] =	dma.strided [spmem:s24@s21], $0x800, s20, $0x10   }
0xdf: {  	[hbm:s8@s9], [sflag:s23] =	dma.strided [spmem:s24@s21], $0x800, s20, $0x10   }
0xe0: {  	[hbm:s22@s9], [sflag:s23] =	dma.strided [spmem:s24@s21], $0x800, s20, $0x10   }
0xe1: {  	[hbm:s2@s9], [sflag:s23] =	dma.strided [spmem:s24@s21], $0x800, s20, $0x10   }
0xe2: {  	_ =	swait.ge [sflag:s11], $0x8000  }
0xe3: {  	[sflag:s11] =	ssyncset.done $0x0  }
0xe4: {  	[sflag:s11] =	ssyncadd.s32 $0xFFFF8000  }
0xe5: {  	_ =	swait.ge [sflag:s16], $0x8000  }
0xe6: {  	[sflag:s16] =	ssyncset.done $0x0  }
0xe7: {  	s22 =	sadd.s32 s1, s4;
	[sflag:s16] =	ssyncadd.s32 $0xFFFF8000  }
0xe8: {  	[tilespmem:s12], [sflag:$0x1] =	stream.strided.gather [hbm4b:s22+s9], $0x8000, s10, s9, $0x38;
	[tilespmem:$0x18000] =	vst v63  }
0xe9: {  	s4 =	sadd.s32 $0x4C000, s31  }
0xea: {  	[hbm4b:s4+s9] =	stream.strided.scatter [tilespmem:s3], [sflag:$0x3], $0x2000, s10, s9, $0x38;
	[tilespmem:$0x18000] =	vst v63  }
0xeb: {  	s2 =	sadd.s32 $0xC000, s4  }
0xec: {  	[hbm4b:s2+s9] =	stream.strided.scatter [tilespmem:s10], [sflag:$0x3], $0x2000, s10, s9, $0x38;
	[tilespmem:$0x18000] =	vst v63  }
0xed: {  	s5 =	rddreg [dreg:$0xe]  }
0xee: {  	[spmem:s5] =	stream.linear.scatter [tilespmem:s13], [sflag:$0x2], $0x4000, $0x38;
	[tilespmem:$0x18000] =	vst v63  }
0xef: {  	_ =	swait.ge [sflag:s11], $0x8000  }
0xf0: {  	[sflag:s11] =	ssyncset.done $0x0  }
0xf1: {  	[sflag:s11] =	ssyncadd.s32 $0xFFFF8000  }
0xf2: {  	_ =	swait.ge [sflag:s16], $0x4000  }
0xf3: {  	[sflag:s16] =	ssyncset.done $0x0  }
0xf4: {  	[sflag:s16] =	ssyncadd.s32 $0xFFFFC000  }
0xf5: {  	_ =	swait.ge [sflag:s15], $0x4000  }
0xf6: {  	[sflag:s15] =	ssyncset.done $0x0  }
0xf7: {  	s0 =	sadd.s32 s1, s0;
	s6 =	rddreg [dreg:$0x8];
	[sflag:s15] =	ssyncadd.s32 $0xFFFFC000  }
0xf8: {  	[tilespmem:s3], [sflag:$0x1] =	stream.strided.gather [hbm4b:s0+s9], $0x8000, s10, s9, $0x38;
	[tilespmem:$0x18000] =	vst v63  }
0xf9: {  	s7 =	sadd.s32 s30, s6  }
0xfa: {  	[hbm4b:s7+s9] =	stream.strided.scatter [tilespmem:s12], [sflag:$0x3], $0x2000, s10, s9, $0x38;
	[tilespmem:$0x18000] =	vst v63  }
0xfb: {  	s2 =	sadd.s32 $0xC000, s7  }
0xfc: {  	[hbm4b:s2+s9] =	stream.strided.scatter [tilespmem:s17], [sflag:$0x3], $0x2000, s10, s9, $0x38;
	[tilespmem:$0x18000] =	vst v63  }
0xfd: {  	s22 =	rddreg [dreg:$0x9];
	s8 =	sadd.s32 $0x18000, s7  }
0xfe: {  	[hbm4b:s8+s9] =	stream.strided.scatter [tilespmem:s18], [sflag:$0x3], $0x2000, s10, s9, $0x38;
	[tilespmem:$0x18000] =	vst v63  }
0xff: {  	s0 =	sadd.s32 $0x24000, s7;
	s2 =	sadd.s32 s30, s22  }
0x100: {  	[hbm4b:s0+s9] =	stream.strided.scatter [tilespmem:s19], [sflag:$0x3], $0x2000, s10, s9, $0x38;
	[tilespmem:$0x18000] =	vst v63  }
0x101: {  	[hbm:s2@s9], [sflag:s23] =	dma.strided [spmem:s25@s21], $0x800, s20, $0x10   }
0x102: {  	s0 =	rddreg [dreg:$0xa]  }
0x103: {  	s4 =	sadd.s32 $0x42000, s31;
	s0 =	sadd.s32 s30, s0  }
0x104: {  	[hbm:s0@s9], [sflag:s23] =	dma.strided [spmem:s25@s21], $0x800, s20, $0x10   }
0x105: {  	s5 =	sadd.s32 $0x4E000, s31;
	s22 =	sadd.s32 $0x2A000, s31;
	s0 =	rddreg [dreg:$0xb]  }
0x106: {  	s8 =	sadd.s32 $0x5A000, s31;
	s0 =	sadd.s32 s30, s0;
	s30 =	sadd.s32 $0x36000, s31  }
0x107: {  	[hbm:s0@s9], [sflag:s23] =	dma.strided [spmem:s25@s21], $0x800, s20, $0x10   }
0x108: {  	[hbm:s22@s9], [sflag:s23] =	dma.strided [spmem:s25@s21], $0x800, s20, $0x10   }
0x109: {  	[hbm:s30@s9], [sflag:s23] =	dma.strided [spmem:s25@s21], $0x800, s20, $0x10   }
0x10a: {  	[hbm:s4@s9], [sflag:s23] =	dma.strided [spmem:s25@s21], $0x800, s20, $0x10   }
0x10b: {  	[hbm:s5@s9], [sflag:s23] =	dma.strided [spmem:s25@s21], $0x800, s20, $0x10   }
0x10c: {  	[hbm:s8@s9], [sflag:s23] =	dma.strided [spmem:s25@s21], $0x800, s20, $0x10   }
0x10d: {  	_ =	swait.ge [sflag:s11], $0x8000  }
0x10e: {  	[sflag:s11] =	ssyncset.done $0x0  }
0x10f: {  	s8 =	sadd.s32 $0x3A000, s31;
	[sflag:s11] =	ssyncadd.s32 $0xFFFF8000  }
0x110: {  	[hbm4b:s8+s9] =	stream.strided.scatter [tilespmem:s3], [sflag:$0x3], $0x2000, s10, s9, $0x38;
	[tilespmem:$0x18000] =	vst v63  }
0x111: {  	s22 =	sadd.s32 $0xC000, s8  }
0x112: {  	[hbm4b:s22+s9] =	stream.strided.scatter [tilespmem:s10], [sflag:$0x3], $0x2000, s10, s9, $0x38;
	[tilespmem:$0x18000] =	vst v63  }
0x113: {  	s30 =	sadd.s32 $0x52000, s31  }
0x114: {  	[hbm4b:s30+s9] =	stream.strided.scatter [tilespmem:s13], [sflag:$0x3], $0x2000, s10, s9, $0x38;
	[tilespmem:$0x18000] =	vst v63  }
0x115: {  	s31 =	sadd.s32 $0x5E000, s31  }
0x116: {  	[hbm4b:s31+s9] =	stream.strided.scatter [tilespmem:s14], [sflag:$0x3], $0x2000, s10, s9, $0x38;
	[tilespmem:$0x18000] =	vst v63  }
0x117: {  	_ =	swait.ge [sflag:s16], $0x8000  }
0x118: {  	[sflag:s16] =	ssyncset.done $0x0  }
0x119: {  	[sflag:s16] =	ssyncadd.s32 $0xFFFF8000  }
0x11a: {  	_ =	swait.ge [sflag:s16], $0x8000  }
0x11b: {  	[sflag:s16] =	ssyncset.done $0x0  }
0x11c: {  	[sflag:s16] =	ssyncadd.s32 $0xFFFF8000  }
0x11d: {  	_ =	swait.ge [sflag:s16], $0x800  }
0x11e: {  	[sflag:s16] =	ssyncset.done $0x0  }
0x11f: {  	[sflag:s16] =	ssyncadd.s32 $0xFFFFF800  }
0x120: {  	_ =	swait.ge [sflag:s16], $0x800  }
0x121: {  	[sflag:s16] =	ssyncset.done $0x0  }
0x122: {  	[sflag:s16] =	ssyncadd.s32 $0xFFFFF800  }
0x123: {  	_ =	swait.ge [sflag:s16], $0x800  }
0x124: {  	[sflag:s16] =	ssyncset.done $0x0  }
0x125: {  	[sflag:s16] =	ssyncadd.s32 $0xFFFFF800  }
0x126: {  	_ =	swait.ge [sflag:s16], $0x800  }
0x127: {  	[sflag:s16] =	ssyncset.done $0x0  }
0x128: {  	[sflag:s16] =	ssyncadd.s32 $0xFFFFF800  }
0x129: {  	_ =	swait.ge [sflag:s16], $0x800  }
0x12a: {  	[sflag:s16] =	ssyncset.done $0x0  }
0x12b: {  	[sflag:s16] =	ssyncadd.s32 $0xFFFFF800  }
0x12c: {  	_ =	swait.ge [sflag:s16], $0x800  }
0x12d: {  	[sflag:s16] =	ssyncset.done $0x0  }
0x12e: {  	[sflag:s16] =	ssyncadd.s32 $0xFFFFF800  }
0x12f: {  	_ =	swait.ge [sflag:s16], $0x800  }
0x130: {  	[sflag:s16] =	ssyncset.done $0x0  }
0x131: {  	[sflag:s16] =	ssyncadd.s32 $0xFFFFF800  }
0x132: {  	_ =	swait.ge [sflag:s16], $0x800  }
0x133: {  	[sflag:s16] =	ssyncset.done $0x0  }
0x134: {  	[sflag:s16] =	ssyncadd.s32 $0xFFFFF800  }
0x135: {  	_ =	swait.ge [sflag:s16], $0x800  }
0x136: {  	[sflag:s16] =	ssyncset.done $0x0  }
0x137: {  	[sflag:s16] =	ssyncadd.s32 $0xFFFFF800  }
0x138: {  	_ =	swait.ge [sflag:s16], $0x800  }
0x139: {  	[sflag:s16] =	ssyncset.done $0x0  }
0x13a: {  	[sflag:s16] =	ssyncadd.s32 $0xFFFFF800  }
0x13b: {  	_ =	swait.ge [sflag:s16], $0x800  }
0x13c: {  	[sflag:s16] =	ssyncset.done $0x0  }
0x13d: {  	[sflag:s16] =	ssyncadd.s32 $0xFFFFF800  }
0x13e: {  	_ =	swait.ge [sflag:s16], $0x800  }
0x13f: {  	[sflag:s16] =	ssyncset.done $0x0  }
0x140: {  	[sflag:s16] =	ssyncadd.s32 $0xFFFFF800  }
0x141: {  	_ =	swait.ge [sflag:s16], $0x800  }
0x142: {  	[sflag:s16] =	ssyncset.done $0x0  }
0x143: {  	p0 =	sne.s32 s29, $0x4;
	[sflag:s16] =	ssyncadd.s32 $0xFFFFF800  }
.Ltmp0:
0x144: {  	_ =	swait.ge [sflag:s16], $0x800;
	(pc) =	sbr.rel @p0 .LBB2_2-.Ltmp0, $4  }
0x145: {  	[sflag:s16] =	ssyncset.done $0x0  }
0x146: {  	[sflag:s16] =	ssyncadd.s32 $0xFFFFF800  }
0x147: {  	_ =	swait.ge [sflag:s16], $0x800  }
0x148: {  	s29 =	sadd.s32 $0x1, s29;
	[sflag:s16] =	ssyncset.done $0x0  }
0x149: {  	[sflag:s16] =	ssyncadd.s32 $0xFFFFF800  }
0x14a: {  	_ =	swait.ge [sflag:s16], $0x800  }
0x14b: {  	s0 =	rddreg [dreg:$0xc]  }
0x14c: {  	s0 =	sadd.s32 s26, s0  }
0x14d: {  	s0 =	sshrl.u32 s0, $0x3  }
0x14e: {  	s2 =	sadd.s32 $0x400, s28;
	s4 =	smul.u32 $0x140000, s0  }
0x14f: {  	s2 =	sand.u32 $0x1C00, s2  }
0x150: {  	s26 =	sor.u32 s2, s4  }
0x151: {  	[sflag:s16] =	ssyncset.done $0x0;
	s4 =	sshrl.u32 s26, $0x3  }
0x152: {  	[sflag:s16] =	ssyncadd.s32 $0xFFFFF800;
	s0 =	smul.u32 $0x300000, s0;
	s4 =	sadd.s32 s1, s4  }
0x153: {  	[tilespmem:s3], [sflag:$0x1] =	stream.strided.gather [hbm4b:s4+s9], $0x8000, s10, s9, $0x38;
	[tilespmem:$0x18000] =	vst v63  }
0x154: {  	s28 =	sadd.s32 $0x40000, s26;
	_ =	swait.ge [sflag:s11], $0x8000  }
0x155: {  	s0 =	sor.u32 s2, s0;
	s29 =	sshrl.u32 s28, $0x3;
	[sflag:s11] =	ssyncset.done $0x0  }
0x156: {  	s2 =	sadd.s32 s1, s29;
	s30 =	rddreg [dreg:$0x4];
	[sflag:s11] =	ssyncadd.s32 $0xFFFF8000  }
0x157: {  	[tilespmem:s12], [sflag:$0x1] =	stream.strided.gather [hbm4b:s2+s9], $0x8000, s10, s9, $0x38;
	[tilespmem:$0x18000] =	vst v63  }
0x158: {  	s0 =	sshrl.u32 s0, $0x3;
	s31 =	rddreg [dreg:$0xd]  }
0x159: {  	[spmem:s31] =	stream.linear.scatter [tilespmem:s3], [sflag:$0x2], $0x4000, $0x38;
	[tilespmem:$0x18000] =	vst v63  }
0x15a: {  	s5 =	sadd.s32 s0, s30  }
0x15b: {  	[hbm4b:s5+s9] =	stream.strided.scatter [tilespmem:s13], [sflag:$0x3], $0x2000, s10, s9, $0x38;
	[tilespmem:$0x18000] =	vst v63  }
0x15c: {  	s2 =	sadd.s32 $0xC000, s5  }
0x15d: {  	[hbm4b:s2+s9] =	stream.strided.scatter [tilespmem:s14], [sflag:$0x3], $0x2000, s10, s9, $0x38;
	[tilespmem:$0x18000] =	vst v63  }
0x15e: {  	_ =	swait.ge [sflag:s11], $0x8000  }
0x15f: {  	[sflag:s11] =	ssyncset.done $0x0  }
0x160: {  	[sflag:s11] =	ssyncadd.s32 $0xFFFF8000  }
0x161: {  	_ =	swait.ge [sflag:s15], $0x4000  }
0x162: {  	[sflag:s15] =	ssyncset.done $0x0  }
0x163: {  	[sflag:s15] =	ssyncadd.s32 $0xFFFFC000  }
0x164: {  	s6 =	sadd.s32 $0x80000, s26;
	_ =	swait.ge [sflag:s16], $0x4000  }
0x165: {  	s2 =	sshrl.u32 s6, $0x3;
	[sflag:s16] =	ssyncset.done $0x0  }
0x166: {  	s2 =	sadd.s32 s1, s2;
	s7 =	rddreg [dreg:$0x5];
	[sflag:s16] =	ssyncadd.s32 $0xFFFFC000  }
0x167: {  	[tilespmem:s3], [sflag:$0x1] =	stream.strided.gather [hbm4b:s2+s9], $0x8000, s10, s9, $0x38;
	[tilespmem:$0x18000] =	vst v63  }
0x168: {  	s8 =	sadd.s32 s0, s7  }
0x169: {  	[hbm4b:s8+s9] =	stream.strided.scatter [tilespmem:s12], [sflag:$0x3], $0x2000, s10, s9, $0x38;
	[tilespmem:$0x18000] =	vst v63  }
0x16a: {  	s4 =	sadd.s32 $0xC000, s8  }
0x16b: {  	[hbm4b:s4+s9] =	stream.strided.scatter [tilespmem:s17], [sflag:$0x3], $0x2000, s10, s9, $0x38;
	[tilespmem:$0x18000] =	vst v63  }
0x16c: {  	s22 =	sadd.s32 $0x18000, s8;
	s28 =	rddreg [dreg:$0x1]  }
0x16d: {  	[hbm4b:s22+s9] =	stream.strided.scatter [tilespmem:s18], [sflag:$0x3], $0x2000, s10, s9, $0x38;
	[tilespmem:$0x18000] =	vst v63  }
0x16e: {  	s2 =	sadd.s32 $0x24000, s8;
	s4 =	sadd.s32 s28, s0  }
0x16f: {  	[hbm4b:s2+s9] =	stream.strided.scatter [tilespmem:s19], [sflag:$0x3], $0x2000, s10, s9, $0x38;
	[tilespmem:$0x18000] =	vst v63  }
0x170: {  	[hbm:s4@s9], [sflag:s23] =	dma.strided [spmem:s24@s21], $0x800, s20, $0x10   }
0x171: {  	s29 =	rddreg [dreg:$0x6]  }
0x172: {  	s30 =	sadd.s32 $0x24000, s4;
	s2 =	sadd.s32 s0, s29  }
0x173: {  	[hbm:s2@s9], [sflag:s23] =	dma.strided [spmem:s24@s21], $0x800, s20, $0x10   }
0x174: {  	s31 =	sadd.s32 $0x30000, s4;
	s5 =	sadd.s32 $0x3C000, s4;
	s2 =	rddreg [dreg:$0x7]  }
0x175: {  	s6 =	sadd.s32 $0x48000, s4;
	s7 =	sadd.s32 $0x54000, s4;
	s2 =	sadd.s32 s0, s2  }
0x176: {  	[hbm:s2@s9], [sflag:s23] =	dma.strided [spmem:s24@s21], $0x800, s20, $0x10   }
0x177: {  	[hbm:s30@s9], [sflag:s23] =	dma.strided [spmem:s24@s21], $0x800, s20, $0x10   }
0x178: {  	[hbm:s31@s9], [sflag:s23] =	dma.strided [spmem:s24@s21], $0x800, s20, $0x10   }
0x179: {  	[hbm:s5@s9], [sflag:s23] =	dma.strided [spmem:s24@s21], $0x800, s20, $0x10   }
0x17a: {  	[hbm:s6@s9], [sflag:s23] =	dma.strided [spmem:s24@s21], $0x800, s20, $0x10   }
0x17b: {  	[hbm:s7@s9], [sflag:s23] =	dma.strided [spmem:s24@s21], $0x800, s20, $0x10   }
0x17c: {  	_ =	swait.ge [sflag:s11], $0x8000  }
0x17d: {  	[sflag:s11] =	ssyncset.done $0x0  }
0x17e: {  	[sflag:s11] =	ssyncadd.s32 $0xFFFF8000  }
0x17f: {  	s8 =	sadd.s32 $0xC0000, s26;
	_ =	swait.ge [sflag:s16], $0x8000  }
0x180: {  	s2 =	sshrl.u32 s8, $0x3;
	[sflag:s16] =	ssyncset.done $0x0  }
0x181: {  	s2 =	sadd.s32 s1, s2;
	[sflag:s16] =	ssyncadd.s32 $0xFFFF8000  }
0x182: {  	[tilespmem:s12], [sflag:$0x1] =	stream.strided.gather [hbm4b:s2+s9], $0x8000, s10, s9, $0x38;
	[tilespmem:$0x18000] =	vst v63  }
0x183: {  	s22 =	sadd.s32 $0x4C000, s4  }
0x184: {  	[hbm4b:s22+s9] =	stream.strided.scatter [tilespmem:s3], [sflag:$0x3], $0x2000, s10, s9, $0x38;
	[tilespmem:$0x18000] =	vst v63  }
0x185: {  	s2 =	sadd.s32 $0xC000, s22  }
0x186: {  	[hbm4b:s2+s9] =	stream.strided.scatter [tilespmem:s10], [sflag:$0x3], $0x2000, s10, s9, $0x38;
	[tilespmem:$0x18000] =	vst v63  }
0x187: {  	s24 =	rddreg [dreg:$0xe]  }
0x188: {  	[spmem:s24] =	stream.linear.scatter [tilespmem:s13], [sflag:$0x2], $0x4000, $0x38;
	[tilespmem:$0x18000] =	vst v63  }
0x189: {  	_ =	swait.ge [sflag:s11], $0x8000  }
0x18a: {  	[sflag:s11] =	ssyncset.done $0x0  }
0x18b: {  	[sflag:s11] =	ssyncadd.s32 $0xFFFF8000  }
0x18c: {  	_ =	swait.ge [sflag:s16], $0x4000  }
0x18d: {  	[sflag:s16] =	ssyncset.done $0x0  }
0x18e: {  	[sflag:s16] =	ssyncadd.s32 $0xFFFFC000  }
0x18f: {  	s28 =	sadd.s32 $0x100000, s26;
	_ =	swait.ge [sflag:s15], $0x4000  }
0x190: {  	s2 =	sshrl.u32 s28, $0x3;
	[sflag:s15] =	ssyncset.done $0x0  }
0x191: {  	s2 =	sadd.s32 s1, s2;
	s5 =	rddreg [dreg:$0x8];
	[sflag:s15] =	ssyncadd.s32 $0xFFFFC000  }
0x192: {  	[tilespmem:s3], [sflag:$0x1] =	stream.strided.gather [hbm4b:s2+s9], $0x8000, s10, s9, $0x38;
	[tilespmem:$0x18000] =	vst v63  }
0x193: {  	s29 =	sadd.s32 s0, s5  }
0x194: {  	[hbm4b:s29+s9] =	stream.strided.scatter [tilespmem:s12], [sflag:$0x3], $0x2000, s10, s9, $0x38;
	[tilespmem:$0x18000] =	vst v63  }
0x195: {  	s5 =	sadd.s32 $0xC000, s29  }
0x196: {  	[hbm4b:s5+s9] =	stream.strided.scatter [tilespmem:s17], [sflag:$0x3], $0x2000, s10, s9, $0x38;
	[tilespmem:$0x18000] =	vst v63  }
0x197: {  	s31 =	rddreg [dreg:$0x9];
	s30 =	sadd.s32 $0x18000, s29  }
0x198: {  	[hbm4b:s30+s9] =	stream.strided.scatter [tilespmem:s18], [sflag:$0x3], $0x2000, s10, s9, $0x38;
	[tilespmem:$0x18000] =	vst v63  }
0x199: {  	s2 =	sadd.s32 $0x24000, s29;
	s5 =	sadd.s32 s0, s31  }
0x19a: {  	[hbm4b:s2+s9] =	stream.strided.scatter [tilespmem:s19], [sflag:$0x3], $0x2000, s10, s9, $0x38;
	[tilespmem:$0x18000] =	vst v63  }
0x19b: {  	[hbm:s5@s9], [sflag:s23] =	dma.strided [spmem:s25@s21], $0x800, s20, $0x10   }
0x19c: {  	s2 =	rddreg [dreg:$0xa]  }
0x19d: {  	s8 =	sadd.s32 $0x42000, s4;
	s2 =	sadd.s32 s0, s2  }
0x19e: {  	[hbm:s2@s9], [sflag:s23] =	dma.strided [spmem:s25@s21], $0x800, s20, $0x10   }
0x19f: {  	s6 =	sadd.s32 $0x2A000, s4;
	s7 =	sadd.s32 $0x36000, s4;
	s2 =	rddreg [dreg:$0xb]  }
0x1a0: {  	s22 =	sadd.s32 $0x4E000, s4;
	s24 =	sadd.s32 $0x5A000, s4;
	s0 =	sadd.s32 s0, s2  }
0x1a1: {  	[hbm:s0@s9], [sflag:s23] =	dma.strided [spmem:s25@s21], $0x800, s20, $0x10   }
0x1a2: {  	[hbm:s6@s9], [sflag:s23] =	dma.strided [spmem:s25@s21], $0x800, s20, $0x10   }
0x1a3: {  	[hbm:s7@s9], [sflag:s23] =	dma.strided [spmem:s25@s21], $0x800, s20, $0x10   }
0x1a4: {  	[hbm:s8@s9], [sflag:s23] =	dma.strided [spmem:s25@s21], $0x800, s20, $0x10   }
0x1a5: {  	[hbm:s22@s9], [sflag:s23] =	dma.strided [spmem:s25@s21], $0x800, s20, $0x10   }
0x1a6: {  	[hbm:s24@s9], [sflag:s23] =	dma.strided [spmem:s25@s21], $0x800, s20, $0x10   }
0x1a7: {  	_ =	swait.ge [sflag:s11], $0x8000  }
0x1a8: {  	[sflag:s11] =	ssyncset.done $0x0  }
0x1a9: {  	s26 =	sadd.s32 $0x3A000, s4;
	[sflag:s11] =	ssyncadd.s32 $0xFFFF8000  }
0x1aa: {  	[hbm4b:s26+s9] =	stream.strided.scatter [tilespmem:s3], [sflag:$0x3], $0x2000, s10, s9, $0x38;
	[tilespmem:$0x18000] =	vst v63  }
0x1ab: {  	s0 =	sadd.s32 $0xC000, s26  }
0x1ac: {  	[hbm4b:s0+s9] =	stream.strided.scatter [tilespmem:s10], [sflag:$0x3], $0x2000, s10, s9, $0x38;
	[tilespmem:$0x18000] =	vst v63  }
0x1ad: {  	s28 =	sadd.s32 $0x52000, s4  }
0x1ae: {  	[hbm4b:s28+s9] =	stream.strided.scatter [tilespmem:s13], [sflag:$0x3], $0x2000, s10, s9, $0x38;
	[tilespmem:$0x18000] =	vst v63  }
0x1af: {  	s29 =	sadd.s32 $0x5E000, s4  }
0x1b0: {  	[hbm4b:s29+s9] =	stream.strided.scatter [tilespmem:s14], [sflag:$0x3], $0x2000, s10, s9, $0x38;
	[tilespmem:$0x18000] =	vst v63  }
0x1b1: {  	_ =	swait.ge [sflag:s16], $0x8000  }
0x1b2: {  	[sflag:s16] =	ssyncset.done $0x0  }
0x1b3: {  	[sflag:s16] =	ssyncadd.s32 $0xFFFF8000  }
0x1b4: {  	_ =	swait.ge [sflag:s16], $0x8000  }
0x1b5: {  	[sflag:s16] =	ssyncset.done $0x0  }
0x1b6: {  	[sflag:s16] =	ssyncadd.s32 $0xFFFF8000  }
0x1b7: {  	_ =	swait.ge [sflag:s16], $0x800  }
0x1b8: {  	[sflag:s16] =	ssyncset.done $0x0  }
0x1b9: {  	[sflag:s16] =	ssyncadd.s32 $0xFFFFF800  }
0x1ba: {  	_ =	swait.ge [sflag:s16], $0x800  }
0x1bb: {  	[sflag:s16] =	ssyncset.done $0x0  }
0x1bc: {  	[sflag:s16] =	ssyncadd.s32 $0xFFFFF800  }
0x1bd: {  	_ =	swait.ge [sflag:s16], $0x800  }
0x1be: {  	[sflag:s16] =	ssyncset.done $0x0  }
0x1bf: {  	[sflag:s16] =	ssyncadd.s32 $0xFFFFF800  }
0x1c0: {  	_ =	swait.ge [sflag:s16], $0x800  }
0x1c1: {  	[sflag:s16] =	ssyncset.done $0x0  }
0x1c2: {  	[sflag:s16] =	ssyncadd.s32 $0xFFFFF800  }
0x1c3: {  	_ =	swait.ge [sflag:s16], $0x800  }
0x1c4: {  	[sflag:s16] =	ssyncset.done $0x0  }
0x1c5: {  	[sflag:s16] =	ssyncadd.s32 $0xFFFFF800  }
0x1c6: {  	_ =	swait.ge [sflag:s16], $0x800  }
0x1c7: {  	[sflag:s16] =	ssyncset.done $0x0  }
0x1c8: {  	[sflag:s16] =	ssyncadd.s32 $0xFFFFF800  }
0x1c9: {  	_ =	swait.ge [sflag:s16], $0x800  }
0x1ca: {  	[sflag:s16] =	ssyncset.done $0x0  }
0x1cb: {  	[sflag:s16] =	ssyncadd.s32 $0xFFFFF800  }
0x1cc: {  	_ =	swait.ge [sflag:s16], $0x800  }
0x1cd: {  	[sflag:s16] =	ssyncset.done $0x0  }
0x1ce: {  	[sflag:s16] =	ssyncadd.s32 $0xFFFFF800  }
0x1cf: {  	_ =	swait.ge [sflag:s16], $0x800  }
0x1d0: {  	[sflag:s16] =	ssyncset.done $0x0  }
0x1d1: {  	[sflag:s16] =	ssyncadd.s32 $0xFFFFF800  }
0x1d2: {  	_ =	swait.ge [sflag:s16], $0x800  }
0x1d3: {  	[sflag:s16] =	ssyncset.done $0x0  }
0x1d4: {  	[sflag:s16] =	ssyncadd.s32 $0xFFFFF800  }
0x1d5: {  	_ =	swait.ge [sflag:s16], $0x800  }
0x1d6: {  	[sflag:s16] =	ssyncset.done $0x0  }
0x1d7: {  	[sflag:s16] =	ssyncadd.s32 $0xFFFFF800  }
0x1d8: {  	_ =	swait.ge [sflag:s16], $0x800  }
0x1d9: {  	[sflag:s16] =	ssyncset.done $0x0  }
0x1da: {  	[sflag:s16] =	ssyncadd.s32 $0xFFFFF800  }
0x1db: {  	_ =	swait.ge [sflag:s16], $0x800  }
0x1dc: {  	[sflag:s16] =	ssyncset.done $0x0  }
0x1dd: {  	[sflag:s16] =	ssyncadd.s32 $0xFFFFF800  }
0x1de: {  	_ =	swait.ge [sflag:s16], $0x800  }
0x1df: {  	[sflag:s16] =	ssyncset.done $0x0  }
0x1e0: {  	[sflag:s16] =	ssyncadd.s32 $0xFFFFF800  }
0x1e1: {  	_ =	swait.ge [sflag:s16], $0x800  }
0x1e2: {  	[sflag:s16] =	ssyncset.done $0x0  }
0x1e3: {  	[sflag:s16] =	ssyncadd.s32 $0xFFFFF800  }
0x1e4: {  	_ =	swait.ge [sflag:s16], $0x800  }
0x1e5: {  	s30 =	rddreg [dreg:$0x11]  }
0x1e6: {  	s31 =	rddreg [dreg:$0xf];
	s2 =	sadd.s32 $0x1, s30  }
0x1e7: {  	p0 =	sne.s32 s2, s31  }
.Ltmp1:
0x1e8: {  	_ = 	snop;
	(pc) =	sbr.rel @p0 .LBB2_1-.Ltmp1, $3  }
0x1e9: {  	_ =	sdelay $0x1  }
0x1ea: {  	[sflag:s16] =	ssyncset.done $0x0  }
0x1eb: {  	[sflag:s16] =	ssyncadd.s32 $0xFFFFF800  }
0x1ec: {  	_ =	sfence.sel $0x180000  }
0x1ed: {  	[bflag:$0x0] =	sbarrier.arrive $0xFFFF  }
0x1ee: {  	_ =	strace $0x90000047  }
0x1ef: {  	s0 =	stileid.u32;
	[bflag:$0x2] =	sbarrier.arrive $0xFFFF  }
0x1f0: {  	p0 =	sne.s32 s0, $0x0;
	s0 =	rddreg [dreg:$0x3]  }
0x1f1: {  	s0 =	sadd.s32 @!p0 $0x100000, s0  }
0x1f2: {  	[sflag:s0] =	ssyncadd.tile.s32 @!p0 $0x1;
	_ =	shalt  }
.Lfunc_end2:
_tile_overlayer_lowered:
.L_overlay_start_2:
0x1f3: {  	(tag) =	ssettag $0x2  }
0x1f4: {  	s0 =	rddreg [dreg:$0x0];
	s2 =	stileid.u32  }
0x1f5: {  	s1 =	rddreg [dreg:$0x1];
	p0 =	sne.s32 s2, $0x0  }
0x1f6: {  	s3 =	rddreg [dreg:$0x2];
	[bflag:$0x3] =	sbarrier.arrive $0xFFFF;
	s2 =	simm.s32 @!p0 $0x1C04  }
0x1f7: {  	[timem:s3], [sflag:s2] =	dma.local @!p0 [hbm:s0], s1  }
0x1f8: {  	s0 =	simm.s32 @!p0 $0x4  }
0x1f9: {  	_ =	swait.ge @!p0 [sflag:s0], s1  }
0x1fa: {  	s1 =	ssub.s32 @!p0 $0x0, s1;
	[sflag:s0] =	ssyncset.done @!p0 $0x0  }
0x1fb: {  	[sflag:s0] =	ssyncadd.s32 @!p0 s1  }
0x1fc: {  	[bflag:$0x3] =	sbarrier.arrive $0xFFFF  }
0x1fd: {  	_ =	shalt  }

</sc_bundles>
